<compile_context>
chip_gen: v7x
topology: tpu7x:2x2x1
jax: 0.10.2.dev20260603
libtpu: 0.0.44.dev20260713+nightly
codegen_flags: <defaults>
</compile_context>

<pallas_src>
import functools

import jax
import jax.numpy as jnp
from jax import lax
from jax.experimental import pallas as pl
from jax.experimental.pallas import tpu as pltpu
from jax.experimental.pallas import tpu_sc as plsc

N = 8388608
NC, NS, L = 2, 16, 16
NW = NC * NS
SC_N = N // 4
PER_W = SC_N // NW
CHUNK = 16384
K = PER_W // CHUNK
UNROLL = 8
TAB = 17 * L
N_LEVEL = -8.0
P_LEVEL = 7.0

TC_BLK = 2097152
G = N // TC_BLK
SC_BLOCKS = SC_N // TC_BLK


def _sc_body(x_hbm, s_hbm, occ_hbm, in_a, in_b, occ_tab, occ_v, s_v,
             sem_a, sem_b):
    wid = lax.axis_index("c") * NS + lax.axis_index("s")
    base = wid * PER_W

    pltpu.sync_copy(s_hbm, s_v)
    s0 = s_v[...]
    ones = jnp.ones((L,), jnp.float32)
    rinv = ones / s0
    lane_off = lax.iota(jnp.int32, L) * 17

    for i in range(TAB // L):
        occ_tab[pl.ds(i * L, L)] = jnp.zeros((L,), jnp.float32)

    in_bufs = (in_a, in_b)
    sems = (sem_a, sem_b)

    def scan_chunk(ibuf):
        @plsc.parallel_loop(0, CHUNK // L, 1, unroll=UNROLL)
        def step(i):
            v = ibuf[pl.ds(i * L, L)]
            u = jnp.minimum(jnp.maximum(v * rinv + 8.5, 0.5), 15.5)
            qi = u.astype(jnp.int32) + lane_off
            plsc.store_scatter(occ_tab, [qi], ones)

    cps = [None] * K
    for k in range(min(2, K)):
        cps[k] = pltpu.async_copy(
            x_hbm.at[pl.ds(base + k * CHUNK, CHUNK)], in_bufs[k % 2], sems[k % 2])
    for k in range(K):
        b = k % 2
        cps[k].wait()
        scan_chunk(in_bufs[b])
        if k + 2 < K:
            cps[k + 2] = pltpu.async_copy(
                x_hbm.at[pl.ds(base + (k + 2) * CHUNK, CHUNK)], in_bufs[b], sems[b])

    occ = occ_tab[pl.ds(0, L)]
    for l in range(1, L):
        occ = jnp.maximum(occ, occ_tab[pl.ds(l * 17, L)])
    occ_v[...] = occ
    pltpu.sync_copy(occ_v, occ_hbm.at[wid])


_sc_occupancy = functools.partial(
    pl.kernel,
    out_type=jax.ShapeDtypeStruct((NW, L), jnp.float32),
    mesh=plsc.VectorSubcoreMesh(core_axis_name="c", subcore_axis_name="s"),
    compiler_params=pltpu.CompilerParams(needs_layout_passes=False),
    scratch_types=(
        pltpu.VMEM((CHUNK,), jnp.float32),
        pltpu.VMEM((CHUNK,), jnp.float32),
        pltpu.VMEM((TAB,), jnp.float32),
        pltpu.VMEM((L,), jnp.float32),
        pltpu.VMEM((L,), jnp.float32),
        pltpu.SemaphoreType.DMA,
        pltpu.SemaphoreType.DMA,
    ),
)(_sc_body)


def _tc_quantize_body(s_ref, x_ref, o_ref, m_ref):
    i = pl.program_id(0)
    s0 = s_ref[0]
    t = x_ref[...] / s0
    q = jnp.round(jnp.clip(t, N_LEVEL, P_LEVEL))
    o_ref[...] = q * s0
    qi = q.astype(jnp.int32) + 8
    v = jnp.left_shift(jnp.int32(1), qi)
    n = TC_BLK
    while n > 128:
        n //= 2
        v = v[:n] | v[n : 2 * n]
    v = jnp.where(i >= SC_BLOCKS, v, jnp.zeros((128,), jnp.int32))
    m_ref[...] = v[None, None, :]


def _tc_quantize(x, s):
    return pl.pallas_call(
        _tc_quantize_body,
        grid=(G,),
        in_specs=[
            pl.BlockSpec(memory_space=pltpu.SMEM),
            pl.BlockSpec((TC_BLK,), lambda i: (i,)),
        ],
        out_specs=[
            pl.BlockSpec((TC_BLK,), lambda i: (i,)),
            pl.BlockSpec((1, 1, 128), lambda i: (i, 0, 0)),
        ],
        out_shape=[
            jax.ShapeDtypeStruct((N,), jnp.float32),
            jax.ShapeDtypeStruct((G, 1, 128), jnp.int32),
        ],
    )(s, x)


def _combine_body(occ_ref, m_ref, s_ref, loss_ref):
    s0 = s_ref[0, 0]
    occ = occ_ref[...]
    m = m_ref[...]
    loss = jnp.float32(0.0)
    for j in range(15):
        p_tc = jnp.max((m >> j) & 1)
        p_sc = jnp.max(occ[:, j])
        jf = jnp.float32(j)
        v = (jf - 8.0) * s0
        c = (N_LEVEL + s0 * 0.5) + jf * s0
        d = v - c
        loss = loss + jnp.where((p_tc > 0) | (p_sc > 0.5), d * d,
                                jnp.float32(0.0))
    loss_ref[0] = loss


def kernel(x, s):
    s16 = jnp.broadcast_to(s, (L,))
    occ = _sc_occupancy(x, s16)
    out, m_tc = _tc_quantize(x, s)
    lossv = pl.pallas_call(
        _combine_body,
        out_specs=pl.BlockSpec(memory_space=pltpu.SMEM),
        out_shape=jax.ShapeDtypeStruct((1,), jnp.float32),
    )(occ, m_tc, s.reshape(1, 1))
    return out, lossv[0]

# --- scband reference (transcript-rebuilt; emitter-appended) ---
"""Pipeline reference for scband-qlayer-180388626716 (READ-ONLY COPY).

The authoritative reference and input builder live on the scoring server;
editing this copy changes nothing except your own understanding.
"""

import jax, jax.numpy as jnp
import numpy as np

BITS = 4
N_LEVEL = -(2 ** (BITS - 1))      # -8
P_LEVEL = 2 ** (BITS - 1) - 1     # 7


def setup_inputs(seed: int = 0) -> dict:
    key = jax.random.key(seed)
    x = jax.random.normal(key, (8388608,), dtype=jnp.float32)
    # s initialized exactly as QLayer.initialize_s: 2*mean(x)/sqrt(p), as a [1]-shaped param
    s = (2.0 * jnp.mean(x.reshape(-1)) / jnp.sqrt(jnp.float32(P_LEVEL))).reshape(1)
    return {"x": x, "s": s}


def _bins(x, s0):
    return jnp.round(jnp.clip(x / s0, N_LEVEL, P_LEVEL))


def _br_loss(x, s0):
    xf = x.reshape(-1)
    b = _bins(xf, s0)
    loss = jnp.float32(0.0)
    # faithful to torch.arange(self.n, self.p): iterates n .. p-1
    for j, i in enumerate(range(N_LEVEL, P_LEVEL)):
        bin_center = N_LEVEL + s0 / 2.0 + j * s0
        mask = (b == i)
        cnt = jnp.sum(mask)
        cntf = jnp.maximum(cnt, 1).astype(xf.dtype)
        diff = jnp.where(mask, xf - bin_center, 0.0)
        mse_loss = jnp.sum(diff * diff) / cntf
        mean_m = jnp.sum(jnp.where(mask, xf, 0.0)) / cntf
        dev = jnp.where(mask, xf - mean_m, 0.0)
        var_loss = jnp.where(
            cnt > 1,
            jnp.sum(dev * dev) / jnp.maximum(cnt - 1, 1).astype(xf.dtype),
            jnp.float32(0.0),
        )
        loss = loss + mse_loss + var_loss
    return loss


def reference(x, s):
    s0 = s[0]
    # clip(x) = bins(x) * s  (self.net is undefined in the module; treated as identity)
    out = _bins(x, s0) * s0
    loss = _br_loss(out, s0)
    return (out, loss)

if __name__ == "__main__":
    import jax
    _d = setup_inputs()
    print(jax.jit(kernel)(*tuple(_d.values())))

</pallas_src>

<mosaic_0001>
#map = affine_map<(d0, d1) -> (0)>
#map1 = affine_map<(d0, d1) -> (0, 0)>
module attributes {stable_mosaic.version = 14 : i64} {
  func.func @_sc_body(%arg0: i32, %arg1: i32, %arg2: memref<8388608xf32, #tpu.memory_space<hbm>>, %arg3: memref<16xf32, #tpu.memory_space<hbm>>, %arg4: memref<32x16xf32, #tpu.memory_space<hbm>>, %arg5: memref<16384xf32, #tpu.memory_space<vmem>>, %arg6: memref<16384xf32, #tpu.memory_space<vmem>>, %arg7: memref<272xf32, #tpu.memory_space<vmem>>, %arg8: memref<16xf32, #tpu.memory_space<vmem>>, %arg9: memref<16xf32, #tpu.memory_space<vmem>>, %arg10: memref<!tpu.dma_semaphore, #tpu.memory_space<semaphore_mem>>, %arg11: memref<!tpu.dma_semaphore, #tpu.memory_space<semaphore_mem>>) attributes {dimension_semantics = [#tpu.dimension_semantics<core_parallel>, #tpu.dimension_semantics<subcore_parallel>], iteration_bounds = array<i64: 2, 16>, scalar_prefetch = 0 : i64, scratch_operands = 7 : i64, tpu.core_type = #tpu.core_type<sc_vector_subcore>, window_params = [{transform_indices = #map}, {transform_indices = #map}, {transform_indices = #map1}]} {
    %mul3A = arith.constant 16 : i32
    %mul3A_0 = arith.muli %arg0, %mul3A : i32
    %add3A = arith.addi %mul3A_0, %arg1 : i32
    %mul3A_1 = arith.constant 65536 : i32
    %mul3A_2 = arith.muli %add3A, %mul3A_1 : i32
    "tpu.region"() ({
      %run_scoped3A = tpu.sem_alloc : memref<!tpu.dma_semaphore, #tpu.memory_space<semaphore_mem>>
      tpu.enqueue_dma source(%arg3 : memref<16xf32, #tpu.memory_space<hbm>>) target(%arg9 : memref<16xf32, #tpu.memory_space<vmem>>) target_semaphore(%run_scoped3A : memref<!tpu.dma_semaphore, #tpu.memory_space<semaphore_mem>>)
      tpu.wait_dma2 semaphore(%run_scoped3A : memref<!tpu.dma_semaphore, #tpu.memory_space<semaphore_mem>>) src(%arg3 : memref<16xf32, #tpu.memory_space<hbm>>) dst(%arg9 : memref<16xf32, #tpu.memory_space<vmem>>)
      tpu.yield
    }) : () -> ()
    %get3A = arith.constant 0 : index
    %get3A_3 = tpu.vector_load %arg9[%get3A] {strides = array<i32>} : memref<16xf32, #tpu.memory_space<vmem>>, vector<16xf32>,
    %broadcast_in_dim3A = arith.constant 1.000000e+00 : f32
    %broadcast_in_dim3A_4 = vector.broadcast %broadcast_in_dim3A : f32 to vector<16xf32>
    %div3A = arith.divf %broadcast_in_dim3A_4, %get3A_3 : vector<16xf32>
    %iota3A = tpu.iota {dimensions = array<i32: 0>} : vector<16xi32>
    %mul3A_5 = arith.constant 17 : i32
    %mul3A_6 = vector.broadcast %mul3A_5 : i32 to vector<16xi32>
    %mul3A_7 = arith.muli %iota3A, %mul3A_6 : vector<16xi32>
    %broadcast_in_dim3A_8 = arith.constant 0.000000e+00 : f32
    %broadcast_in_dim3A_9 = vector.broadcast %broadcast_in_dim3A_8 : f32 to vector<16xf32>
    %swap3A = arith.constant 0 : index
    %swap3A_10 = tpu.vector_load %arg7[%swap3A] {strides = array<i32>} : memref<272xf32, #tpu.memory_space<vmem>>, vector<16xf32>,
    tpu.vector_store %arg7[%swap3A], %broadcast_in_dim3A_9 {strides = array<i32>} : memref<272xf32, #tpu.memory_space<vmem>>, vector<16xf32>,
    %broadcast_in_dim3A_11 = arith.constant 0.000000e+00 : f32
    %broadcast_in_dim3A_12 = vector.broadcast %broadcast_in_dim3A_11 : f32 to vector<16xf32>
    %swap3A_13 = arith.constant 16 : index
    %swap3A_14 = tpu.vector_load %arg7[%swap3A_13] {strides = array<i32>} : memref<272xf32, #tpu.memory_space<vmem>>, vector<16xf32>,
    tpu.vector_store %arg7[%swap3A_13], %broadcast_in_dim3A_12 {strides = array<i32>} : memref<272xf32, #tpu.memory_space<vmem>>, vector<16xf32>,
    %broadcast_in_dim3A_15 = arith.constant 0.000000e+00 : f32
    %broadcast_in_dim3A_16 = vector.broadcast %broadcast_in_dim3A_15 : f32 to vector<16xf32>
    %swap3A_17 = arith.constant 32 : index
    %swap3A_18 = tpu.vector_load %arg7[%swap3A_17] {strides = array<i32>} : memref<272xf32, #tpu.memory_space<vmem>>, vector<16xf32>,
    tpu.vector_store %arg7[%swap3A_17], %broadcast_in_dim3A_16 {strides = array<i32>} : memref<272xf32, #tpu.memory_space<vmem>>, vector<16xf32>,
    %broadcast_in_dim3A_19 = arith.constant 0.000000e+00 : f32
    %broadcast_in_dim3A_20 = vector.broadcast %broadcast_in_dim3A_19 : f32 to vector<16xf32>
    %swap3A_21 = arith.constant 48 : index
    %swap3A_22 = tpu.vector_load %arg7[%swap3A_21] {strides = array<i32>} : memref<272xf32, #tpu.memory_space<vmem>>, vector<16xf32>,
    tpu.vector_store %arg7[%swap3A_21], %broadcast_in_dim3A_20 {strides = array<i32>} : memref<272xf32, #tpu.memory_space<vmem>>, vector<16xf32>,
    %broadcast_in_dim3A_23 = arith.constant 0.000000e+00 : f32
    %broadcast_in_dim3A_24 = vector.broadcast %broadcast_in_dim3A_23 : f32 to vector<16xf32>
    %swap3A_25 = arith.constant 64 : index
    %swap3A_26 = tpu.vector_load %arg7[%swap3A_25] {strides = array<i32>} : memref<272xf32, #tpu.memory_space<vmem>>, vector<16xf32>,
    tpu.vector_store %arg7[%swap3A_25], %broadcast_in_dim3A_24 {strides = array<i32>} : memref<272xf32, #tpu.memory_space<vmem>>, vector<16xf32>,
    %broadcast_in_dim3A_27 = arith.constant 0.000000e+00 : f32
    %broadcast_in_dim3A_28 = vector.broadcast %broadcast_in_dim3A_27 : f32 to vector<16xf32>
    %swap3A_29 = arith.constant 80 : index
    %swap3A_30 = tpu.vector_load %arg7[%swap3A_29] {strides = array<i32>} : memref<272xf32, #tpu.memory_space<vmem>>, vector<16xf32>,
    tpu.vector_store %arg7[%swap3A_29], %broadcast_in_dim3A_28 {strides = array<i32>} : memref<272xf32, #tpu.memory_space<vmem>>, vector<16xf32>,
    %broadcast_in_dim3A_31 = arith.constant 0.000000e+00 : f32
    %broadcast_in_dim3A_32 = vector.broadcast %broadcast_in_dim3A_31 : f32 to vector<16xf32>
    %swap3A_33 = arith.constant 96 : index
    %swap3A_34 = tpu.vector_load %arg7[%swap3A_33] {strides = array<i32>} : memref<272xf32, #tpu.memory_space<vmem>>, vector<16xf32>,
    tpu.vector_store %arg7[%swap3A_33], %broadcast_in_dim3A_32 {strides = array<i32>} : memref<272xf32, #tpu.memory_space<vmem>>, vector<16xf32>,
    %broadcast_in_dim3A_35 = arith.constant 0.000000e+00 : f32
    %broadcast_in_dim3A_36 = vector.broadcast %broadcast_in_dim3A_35 : f32 to vector<16xf32>
    %swap3A_37 = arith.constant 112 : index
    %swap3A_38 = tpu.vector_load %arg7[%swap3A_37] {strides = array<i32>} : memref<272xf32, #tpu.memory_space<vmem>>, vector<16xf32>,
    tpu.vector_store %arg7[%swap3A_37], %broadcast_in_dim3A_36 {strides = array<i32>} : memref<272xf32, #tpu.memory_space<vmem>>, vector<16xf32>,
    %broadcast_in_dim3A_39 = arith.constant 0.000000e+00 : f32
    %broadcast_in_dim3A_40 = vector.broadcast %broadcast_in_dim3A_39 : f32 to vector<16xf32>
    %swap3A_41 = arith.constant 128 : index
    %swap3A_42 = tpu.vector_load %arg7[%swap3A_41] {strides = array<i32>} : memref<272xf32, #tpu.memory_space<vmem>>, vector<16xf32>,
    tpu.vector_store %arg7[%swap3A_41], %broadcast_in_dim3A_40 {strides = array<i32>} : memref<272xf32, #tpu.memory_space<vmem>>, vector<16xf32>,
    %broadcast_in_dim3A_43 = arith.constant 0.000000e+00 : f32
    %broadcast_in_dim3A_44 = vector.broadcast %broadcast_in_dim3A_43 : f32 to vector<16xf32>
    %swap3A_45 = arith.constant 144 : index
    %swap3A_46 = tpu.vector_load %arg7[%swap3A_45] {strides = array<i32>} : memref<272xf32, #tpu.memory_space<vmem>>, vector<16xf32>,
    tpu.vector_store %arg7[%swap3A_45], %broadcast_in_dim3A_44 {strides = array<i32>} : memref<272xf32, #tpu.memory_space<vmem>>, vector<16xf32>,
    %broadcast_in_dim3A_47 = arith.constant 0.000000e+00 : f32
    %broadcast_in_dim3A_48 = vector.broadcast %broadcast_in_dim3A_47 : f32 to vector<16xf32>
    %swap3A_49 = arith.constant 160 : index
    %swap3A_50 = tpu.vector_load %arg7[%swap3A_49] {strides = array<i32>} : memref<272xf32, #tpu.memory_space<vmem>>, vector<16xf32>,
    tpu.vector_store %arg7[%swap3A_49], %broadcast_in_dim3A_48 {strides = array<i32>} : memref<272xf32, #tpu.memory_space<vmem>>, vector<16xf32>,
    %broadcast_in_dim3A_51 = arith.constant 0.000000e+00 : f32
    %broadcast_in_dim3A_52 = vector.broadcast %broadcast_in_dim3A_51 : f32 to vector<16xf32>
    %swap3A_53 = arith.constant 176 : index
    %swap3A_54 = tpu.vector_load %arg7[%swap3A_53] {strides = array<i32>} : memref<272xf32, #tpu.memory_space<vmem>>, vector<16xf32>,
    tpu.vector_store %arg7[%swap3A_53], %broadcast_in_dim3A_52 {strides = array<i32>} : memref<272xf32, #tpu.memory_space<vmem>>, vector<16xf32>,
    %broadcast_in_dim3A_55 = arith.constant 0.000000e+00 : f32
    %broadcast_in_dim3A_56 = vector.broadcast %broadcast_in_dim3A_55 : f32 to vector<16xf32>
    %swap3A_57 = arith.constant 192 : index
    %swap3A_58 = tpu.vector_load %arg7[%swap3A_57] {strides = array<i32>} : memref<272xf32, #tpu.memory_space<vmem>>, vector<16xf32>,
    tpu.vector_store %arg7[%swap3A_57], %broadcast_in_dim3A_56 {strides = array<i32>} : memref<272xf32, #tpu.memory_space<vmem>>, vector<16xf32>,
    %broadcast_in_dim3A_59 = arith.constant 0.000000e+00 : f32
    %broadcast_in_dim3A_60 = vector.broadcast %broadcast_in_dim3A_59 : f32 to vector<16xf32>
    %swap3A_61 = arith.constant 208 : index
    %swap3A_62 = tpu.vector_load %arg7[%swap3A_61] {strides = array<i32>} : memref<272xf32, #tpu.memory_space<vmem>>, vector<16xf32>,
    tpu.vector_store %arg7[%swap3A_61], %broadcast_in_dim3A_60 {strides = array<i32>} : memref<272xf32, #tpu.memory_space<vmem>>, vector<16xf32>,
    %broadcast_in_dim3A_63 = arith.constant 0.000000e+00 : f32
    %broadcast_in_dim3A_64 = vector.broadcast %broadcast_in_dim3A_63 : f32 to vector<16xf32>
    %swap3A_65 = arith.constant 224 : index
    %swap3A_66 = tpu.vector_load %arg7[%swap3A_65] {strides = array<i32>} : memref<272xf32, #tpu.memory_space<vmem>>, vector<16xf32>,
    tpu.vector_store %arg7[%swap3A_65], %broadcast_in_dim3A_64 {strides = array<i32>} : memref<272xf32, #tpu.memory_space<vmem>>, vector<16xf32>,
    %broadcast_in_dim3A_67 = arith.constant 0.000000e+00 : f32
    %broadcast_in_dim3A_68 = vector.broadcast %broadcast_in_dim3A_67 : f32 to vector<16xf32>
    %swap3A_69 = arith.constant 240 : index
    %swap3A_70 = tpu.vector_load %arg7[%swap3A_69] {strides = array<i32>} : memref<272xf32, #tpu.memory_space<vmem>>, vector<16xf32>,
    tpu.vector_store %arg7[%swap3A_69], %broadcast_in_dim3A_68 {strides = array<i32>} : memref<272xf32, #tpu.memory_space<vmem>>, vector<16xf32>,
    %broadcast_in_dim3A_71 = arith.constant 0.000000e+00 : f32
    %broadcast_in_dim3A_72 = vector.broadcast %broadcast_in_dim3A_71 : f32 to vector<16xf32>
    %swap3A_73 = arith.constant 256 : index
    %swap3A_74 = tpu.vector_load %arg7[%swap3A_73] {strides = array<i32>} : memref<272xf32, #tpu.memory_space<vmem>>, vector<16xf32>,
    tpu.vector_store %arg7[%swap3A_73], %broadcast_in_dim3A_72 {strides = array<i32>} : memref<272xf32, #tpu.memory_space<vmem>>, vector<16xf32>,
    %add3A_75 = arith.constant 0 : i32
    %add3A_76 = arith.addi %mul3A_2, %add3A_75 : i32
    %dma_start3A = tpu.memref_slice %arg2[%add3A_76] : memref<8388608xf32, #tpu.memory_space<hbm>> -> memref<16384xf32, #tpu.memory_space<hbm>>
    %dma_start3A_77 = tpu.memref_slice %arg2[%add3A_76] : memref<8388608xf32, #tpu.memory_space<hbm>> -> memref<16384xf32, #tpu.memory_space<hbm>>
    tpu.enqueue_dma source(%dma_start3A_77 : memref<16384xf32, #tpu.memory_space<hbm>>) target(%arg5 : memref<16384xf32, #tpu.memory_space<vmem>>) target_semaphore(%arg10 : memref<!tpu.dma_semaphore, #tpu.memory_space<semaphore_mem>>)
    %add3A_78 = arith.constant 16384 : i32
    %add3A_79 = arith.addi %mul3A_2, %add3A_78 : i32
    %dma_start3A_80 = tpu.memref_slice %arg2[%add3A_79] : memref<8388608xf32, #tpu.memory_space<hbm>> -> memref<16384xf32, #tpu.memory_space<hbm>>
    %dma_start3A_81 = tpu.memref_slice %arg2[%add3A_79] : memref<8388608xf32, #tpu.memory_space<hbm>> -> memref<16384xf32, #tpu.memory_space<hbm>>
    tpu.enqueue_dma source(%dma_start3A_81 : memref<16384xf32, #tpu.memory_space<hbm>>) target(%arg6 : memref<16384xf32, #tpu.memory_space<vmem>>) target_semaphore(%arg11 : memref<!tpu.dma_semaphore, #tpu.memory_space<semaphore_mem>>)
    %dma_wait3A = tpu.memref_slice %arg2[%add3A_76] : memref<8388608xf32, #tpu.memory_space<hbm>> -> memref<16384xf32, #tpu.memory_space<hbm>>
    %dma_wait3A_82 = tpu.memref_slice %arg2[%add3A_76] : memref<8388608xf32, #tpu.memory_space<hbm>> -> memref<16384xf32, #tpu.memory_space<hbm>>
    tpu.wait_dma2 semaphore(%arg10 : memref<!tpu.dma_semaphore, #tpu.memory_space<semaphore_mem>>) src(%dma_wait3A_82 : memref<16384xf32, #tpu.memory_space<hbm>>) dst(%arg5 : memref<16384xf32, #tpu.memory_space<vmem>>)
    %parallel_loop3A = arith.constant 0 : i32
    %parallel_loop3A_83 = arith.constant 1024 : i32
    %parallel_loop3A_84 = arith.constant 1 : i32
    scf.for %parallel_loop3A_156 = %parallel_loop3A to %parallel_loop3A_83 step %parallel_loop3A_84  : i32 {
      %parallel_loop3A_157 = arith.constant 16 : i32
      %parallel_loop3A_158 = arith.muli %parallel_loop3A_156, %parallel_loop3A_157 : i32
      %parallel_loop3A_159 = arith.index_cast %parallel_loop3A_158 : i32 to index
      %parallel_loop3A_160 = tpu.vector_load %arg5[%parallel_loop3A_159] {strides = array<i32>} : memref<16384xf32, #tpu.memory_space<vmem>>, vector<16xf32>,
      %parallel_loop3A_161 = arith.mulf %parallel_loop3A_160, %div3A : vector<16xf32>
      %parallel_loop3A_162 = arith.constant 8.500000e+00 : f32
      %parallel_loop3A_163 = vector.broadcast %parallel_loop3A_162 : f32 to vector<16xf32>
      %parallel_loop3A_164 = arith.addf %parallel_loop3A_161, %parallel_loop3A_163 : vector<16xf32>
      %parallel_loop3A_165 = arith.constant 5.000000e-01 : f32
      %parallel_loop3A_166 = vector.broadcast %parallel_loop3A_165 : f32 to vector<16xf32>
      %parallel_loop3A_167 = arith.maximumf %parallel_loop3A_164, %parallel_loop3A_166 : vector<16xf32>
      %parallel_loop3A_168 = arith.constant 1.550000e+01 : f32
      %parallel_loop3A_169 = vector.broadcast %parallel_loop3A_168 : f32 to vector<16xf32>
      %parallel_loop3A_170 = arith.minimumf %parallel_loop3A_167, %parallel_loop3A_169 : vector<16xf32>
      %parallel_loop3A_171 = arith.fptosi %parallel_loop3A_170 : vector<16xf32> to vector<16xi32>
      %parallel_loop3A_172 = arith.addi %parallel_loop3A_171, %mul3A_7 : vector<16xi32>
      tpu.vector_store_idx %arg7[%parallel_loop3A_172], %broadcast_in_dim3A_4 : memref<272xf32, #tpu.memory_space<vmem>>[vector<16xi32>], vector<16xf32>,
    } {sc.loop_unroll_factor = 8 : i64, sc.parallel_access}
    %add3A_85 = arith.constant 32768 : i32
    %add3A_86 = arith.addi %mul3A_2, %add3A_85 : i32
    %dma_start3A_87 = tpu.memref_slice %arg2[%add3A_86] : memref<8388608xf32, #tpu.memory_space<hbm>> -> memref<16384xf32, #tpu.memory_space<hbm>>
    %dma_start3A_88 = tpu.memref_slice %arg2[%add3A_86] : memref<8388608xf32, #tpu.memory_space<hbm>> -> memref<16384xf32, #tpu.memory_space<hbm>>
    tpu.enqueue_dma source(%dma_start3A_88 : memref<16384xf32, #tpu.memory_space<hbm>>) target(%arg5 : memref<16384xf32, #tpu.memory_space<vmem>>) target_semaphore(%arg10 : memref<!tpu.dma_semaphore, #tpu.memory_space<semaphore_mem>>)
    %dma_wait3A_89 = tpu.memref_slice %arg2[%add3A_79] : memref<8388608xf32, #tpu.memory_space<hbm>> -> memref<16384xf32, #tpu.memory_space<hbm>>
    %dma_wait3A_90 = tpu.memref_slice %arg2[%add3A_79] : memref<8388608xf32, #tpu.memory_space<hbm>> -> memref<16384xf32, #tpu.memory_space<hbm>>
    tpu.wait_dma2 semaphore(%arg11 : memref<!tpu.dma_semaphore, #tpu.memory_space<semaphore_mem>>) src(%dma_wait3A_90 : memref<16384xf32, #tpu.memory_space<hbm>>) dst(%arg6 : memref<16384xf32, #tpu.memory_space<vmem>>)
    %parallel_loop3A_91 = arith.constant 0 : i32
    %parallel_loop3A_92 = arith.constant 1024 : i32
    %parallel_loop3A_93 = arith.constant 1 : i32
    scf.for %parallel_loop3A_156 = %parallel_loop3A_91 to %parallel_loop3A_92 step %parallel_loop3A_93  : i32 {
      %parallel_loop3A_157 = arith.constant 16 : i32
      %parallel_loop3A_158 = arith.muli %parallel_loop3A_156, %parallel_loop3A_157 : i32
      %parallel_loop3A_159 = arith.index_cast %parallel_loop3A_158 : i32 to index
      %parallel_loop3A_160 = tpu.vector_load %arg6[%parallel_loop3A_159] {strides = array<i32>} : memref<16384xf32, #tpu.memory_space<vmem>>, vector<16xf32>,
      %parallel_loop3A_161 = arith.mulf %parallel_loop3A_160, %div3A : vector<16xf32>
      %parallel_loop3A_162 = arith.constant 8.500000e+00 : f32
      %parallel_loop3A_163 = vector.broadcast %parallel_loop3A_162 : f32 to vector<16xf32>
      %parallel_loop3A_164 = arith.addf %parallel_loop3A_161, %parallel_loop3A_163 : vector<16xf32>
      %parallel_loop3A_165 = arith.constant 5.000000e-01 : f32
      %parallel_loop3A_166 = vector.broadcast %parallel_loop3A_165 : f32 to vector<16xf32>
      %parallel_loop3A_167 = arith.maximumf %parallel_loop3A_164, %parallel_loop3A_166 : vector<16xf32>
      %parallel_loop3A_168 = arith.constant 1.550000e+01 : f32
      %parallel_loop3A_169 = vector.broadcast %parallel_loop3A_168 : f32 to vector<16xf32>
      %parallel_loop3A_170 = arith.minimumf %parallel_loop3A_167, %parallel_loop3A_169 : vector<16xf32>
      %parallel_loop3A_171 = arith.fptosi %parallel_loop3A_170 : vector<16xf32> to vector<16xi32>
      %parallel_loop3A_172 = arith.addi %parallel_loop3A_171, %mul3A_7 : vector<16xi32>
      tpu.vector_store_idx %arg7[%parallel_loop3A_172], %broadcast_in_dim3A_4 : memref<272xf32, #tpu.memory_space<vmem>>[vector<16xi32>], vector<16xf32>,
    } {sc.loop_unroll_factor = 8 : i64, sc.parallel_access}
    %add3A_94 = arith.constant 49152 : i32
    %add3A_95 = arith.addi %mul3A_2, %add3A_94 : i32
    %dma_start3A_96 = tpu.memref_slice %arg2[%add3A_95] : memref<8388608xf32, #tpu.memory_space<hbm>> -> memref<16384xf32, #tpu.memory_space<hbm>>
    %dma_start3A_97 = tpu.memref_slice %arg2[%add3A_95] : memref<8388608xf32, #tpu.memory_space<hbm>> -> memref<16384xf32, #tpu.memory_space<hbm>>
    tpu.enqueue_dma source(%dma_start3A_97 : memref<16384xf32, #tpu.memory_space<hbm>>) target(%arg6 : memref<16384xf32, #tpu.memory_space<vmem>>) target_semaphore(%arg11 : memref<!tpu.dma_semaphore, #tpu.memory_space<semaphore_mem>>)
    %dma_wait3A_98 = tpu.memref_slice %arg2[%add3A_86] : memref<8388608xf32, #tpu.memory_space<hbm>> -> memref<16384xf32, #tpu.memory_space<hbm>>
    %dma_wait3A_99 = tpu.memref_slice %arg2[%add3A_86] : memref<8388608xf32, #tpu.memory_space<hbm>> -> memref<16384xf32, #tpu.memory_space<hbm>>
    tpu.wait_dma2 semaphore(%arg10 : memref<!tpu.dma_semaphore, #tpu.memory_space<semaphore_mem>>) src(%dma_wait3A_99 : memref<16384xf32, #tpu.memory_space<hbm>>) dst(%arg5 : memref<16384xf32, #tpu.memory_space<vmem>>)
    %parallel_loop3A_100 = arith.constant 0 : i32
    %parallel_loop3A_101 = arith.constant 1024 : i32
    %parallel_loop3A_102 = arith.constant 1 : i32
    scf.for %parallel_loop3A_156 = %parallel_loop3A_100 to %parallel_loop3A_101 step %parallel_loop3A_102  : i32 {
      %parallel_loop3A_157 = arith.constant 16 : i32
      %parallel_loop3A_158 = arith.muli %parallel_loop3A_156, %parallel_loop3A_157 : i32
      %parallel_loop3A_159 = arith.index_cast %parallel_loop3A_158 : i32 to index
      %parallel_loop3A_160 = tpu.vector_load %arg5[%parallel_loop3A_159] {strides = array<i32>} : memref<16384xf32, #tpu.memory_space<vmem>>, vector<16xf32>,
      %parallel_loop3A_161 = arith.mulf %parallel_loop3A_160, %div3A : vector<16xf32>
      %parallel_loop3A_162 = arith.constant 8.500000e+00 : f32
      %parallel_loop3A_163 = vector.broadcast %parallel_loop3A_162 : f32 to vector<16xf32>
      %parallel_loop3A_164 = arith.addf %parallel_loop3A_161, %parallel_loop3A_163 : vector<16xf32>
      %parallel_loop3A_165 = arith.constant 5.000000e-01 : f32
      %parallel_loop3A_166 = vector.broadcast %parallel_loop3A_165 : f32 to vector<16xf32>
      %parallel_loop3A_167 = arith.maximumf %parallel_loop3A_164, %parallel_loop3A_166 : vector<16xf32>
      %parallel_loop3A_168 = arith.constant 1.550000e+01 : f32
      %parallel_loop3A_169 = vector.broadcast %parallel_loop3A_168 : f32 to vector<16xf32>
      %parallel_loop3A_170 = arith.minimumf %parallel_loop3A_167, %parallel_loop3A_169 : vector<16xf32>
      %parallel_loop3A_171 = arith.fptosi %parallel_loop3A_170 : vector<16xf32> to vector<16xi32>
      %parallel_loop3A_172 = arith.addi %parallel_loop3A_171, %mul3A_7 : vector<16xi32>
      tpu.vector_store_idx %arg7[%parallel_loop3A_172], %broadcast_in_dim3A_4 : memref<272xf32, #tpu.memory_space<vmem>>[vector<16xi32>], vector<16xf32>,
    } {sc.loop_unroll_factor = 8 : i64, sc.parallel_access}
    %dma_wait3A_103 = tpu.memref_slice %arg2[%add3A_95] : memref<8388608xf32, #tpu.memory_space<hbm>> -> memref<16384xf32, #tpu.memory_space<hbm>>
    %dma_wait3A_104 = tpu.memref_slice %arg2[%add3A_95] : memref<8388608xf32, #tpu.memory_space<hbm>> -> memref<16384xf32, #tpu.memory_space<hbm>>
    tpu.wait_dma2 semaphore(%arg11 : memref<!tpu.dma_semaphore, #tpu.memory_space<semaphore_mem>>) src(%dma_wait3A_104 : memref<16384xf32, #tpu.memory_space<hbm>>) dst(%arg6 : memref<16384xf32, #tpu.memory_space<vmem>>)
    %parallel_loop3A_105 = arith.constant 0 : i32
    %parallel_loop3A_106 = arith.constant 1024 : i32
    %parallel_loop3A_107 = arith.constant 1 : i32
    scf.for %parallel_loop3A_156 = %parallel_loop3A_105 to %parallel_loop3A_106 step %parallel_loop3A_107  : i32 {
      %parallel_loop3A_157 = arith.constant 16 : i32
      %parallel_loop3A_158 = arith.muli %parallel_loop3A_156, %parallel_loop3A_157 : i32
      %parallel_loop3A_159 = arith.index_cast %parallel_loop3A_158 : i32 to index
      %parallel_loop3A_160 = tpu.vector_load %arg6[%parallel_loop3A_159] {strides = array<i32>} : memref<16384xf32, #tpu.memory_space<vmem>>, vector<16xf32>,
      %parallel_loop3A_161 = arith.mulf %parallel_loop3A_160, %div3A : vector<16xf32>
      %parallel_loop3A_162 = arith.constant 8.500000e+00 : f32
      %parallel_loop3A_163 = vector.broadcast %parallel_loop3A_162 : f32 to vector<16xf32>
      %parallel_loop3A_164 = arith.addf %parallel_loop3A_161, %parallel_loop3A_163 : vector<16xf32>
      %parallel_loop3A_165 = arith.constant 5.000000e-01 : f32
      %parallel_loop3A_166 = vector.broadcast %parallel_loop3A_165 : f32 to vector<16xf32>
      %parallel_loop3A_167 = arith.maximumf %parallel_loop3A_164, %parallel_loop3A_166 : vector<16xf32>
      %parallel_loop3A_168 = arith.constant 1.550000e+01 : f32
      %parallel_loop3A_169 = vector.broadcast %parallel_loop3A_168 : f32 to vector<16xf32>
      %parallel_loop3A_170 = arith.minimumf %parallel_loop3A_167, %parallel_loop3A_169 : vector<16xf32>
      %parallel_loop3A_171 = arith.fptosi %parallel_loop3A_170 : vector<16xf32> to vector<16xi32>
      %parallel_loop3A_172 = arith.addi %parallel_loop3A_171, %mul3A_7 : vector<16xi32>
      tpu.vector_store_idx %arg7[%parallel_loop3A_172], %broadcast_in_dim3A_4 : memref<272xf32, #tpu.memory_space<vmem>>[vector<16xi32>], vector<16xf32>,
    } {sc.loop_unroll_factor = 8 : i64, sc.parallel_access}
    %get3A_108 = arith.constant 0 : index
    %get3A_109 = tpu.vector_load %arg7[%get3A_108] {strides = array<i32>} : memref<272xf32, #tpu.memory_space<vmem>>, vector<16xf32>,
    %get3A_110 = arith.constant 17 : index
    %get3A_111 = tpu.vector_load %arg7[%get3A_110] {strides = array<i32>} : memref<272xf32, #tpu.memory_space<vmem>>, vector<16xf32>,
    %max3A = arith.maximumf %get3A_109, %get3A_111 : vector<16xf32>
    %get3A_112 = arith.constant 34 : index
    %get3A_113 = tpu.vector_load %arg7[%get3A_112] {strides = array<i32>} : memref<272xf32, #tpu.memory_space<vmem>>, vector<16xf32>,
    %max3A_114 = arith.maximumf %max3A, %get3A_113 : vector<16xf32>
    %get3A_115 = arith.constant 51 : index
    %get3A_116 = tpu.vector_load %arg7[%get3A_115] {strides = array<i32>} : memref<272xf32, #tpu.memory_space<vmem>>, vector<16xf32>,
    %max3A_117 = arith.maximumf %max3A_114, %get3A_116 : vector<16xf32>
    %get3A_118 = arith.constant 68 : index
    %get3A_119 = tpu.vector_load %arg7[%get3A_118] {strides = array<i32>} : memref<272xf32, #tpu.memory_space<vmem>>, vector<16xf32>,
    %max3A_120 = arith.maximumf %max3A_117, %get3A_119 : vector<16xf32>
    %get3A_121 = arith.constant 85 : index
    %get3A_122 = tpu.vector_load %arg7[%get3A_121] {strides = array<i32>} : memref<272xf32, #tpu.memory_space<vmem>>, vector<16xf32>,
    %max3A_123 = arith.maximumf %max3A_120, %get3A_122 : vector<16xf32>
    %get3A_124 = arith.constant 102 : index
    %get3A_125 = tpu.vector_load %arg7[%get3A_124] {strides = array<i32>} : memref<272xf32, #tpu.memory_space<vmem>>, vector<16xf32>,
    %max3A_126 = arith.maximumf %max3A_123, %get3A_125 : vector<16xf32>
    %get3A_127 = arith.constant 119 : index
    %get3A_128 = tpu.vector_load %arg7[%get3A_127] {strides = array<i32>} : memref<272xf32, #tpu.memory_space<vmem>>, vector<16xf32>,
    %max3A_129 = arith.maximumf %max3A_126, %get3A_128 : vector<16xf32>
    %get3A_130 = arith.constant 136 : index
    %get3A_131 = tpu.vector_load %arg7[%get3A_130] {strides = array<i32>} : memref<272xf32, #tpu.memory_space<vmem>>, vector<16xf32>,
    %max3A_132 = arith.maximumf %max3A_129, %get3A_131 : vector<16xf32>
    %get3A_133 = arith.constant 153 : index
    %get3A_134 = tpu.vector_load %arg7[%get3A_133] {strides = array<i32>} : memref<272xf32, #tpu.memory_space<vmem>>, vector<16xf32>,
    %max3A_135 = arith.maximumf %max3A_132, %get3A_134 : vector<16xf32>
    %get3A_136 = arith.constant 170 : index
    %get3A_137 = tpu.vector_load %arg7[%get3A_136] {strides = array<i32>} : memref<272xf32, #tpu.memory_space<vmem>>, vector<16xf32>,
    %max3A_138 = arith.maximumf %max3A_135, %get3A_137 : vector<16xf32>
    %get3A_139 = arith.constant 187 : index
    %get3A_140 = tpu.vector_load %arg7[%get3A_139] {strides = array<i32>} : memref<272xf32, #tpu.memory_space<vmem>>, vector<16xf32>,
    %max3A_141 = arith.maximumf %max3A_138, %get3A_140 : vector<16xf32>
    %get3A_142 = arith.constant 204 : index
    %get3A_143 = tpu.vector_load %arg7[%get3A_142] {strides = array<i32>} : memref<272xf32, #tpu.memory_space<vmem>>, vector<16xf32>,
    %max3A_144 = arith.maximumf %max3A_141, %get3A_143 : vector<16xf32>
    %get3A_145 = arith.constant 221 : index
    %get3A_146 = tpu.vector_load %arg7[%get3A_145] {strides = array<i32>} : memref<272xf32, #tpu.memory_space<vmem>>, vector<16xf32>,
    %max3A_147 = arith.maximumf %max3A_144, %get3A_146 : vector<16xf32>
    %get3A_148 = arith.constant 238 : index
    %get3A_149 = tpu.vector_load %arg7[%get3A_148] {strides = array<i32>} : memref<272xf32, #tpu.memory_space<vmem>>, vector<16xf32>,
    %max3A_150 = arith.maximumf %max3A_147, %get3A_149 : vector<16xf32>
    %get3A_151 = arith.constant 255 : index
    %get3A_152 = tpu.vector_load %arg7[%get3A_151] {strides = array<i32>} : memref<272xf32, #tpu.memory_space<vmem>>, vector<16xf32>,
    %max3A_153 = arith.maximumf %max3A_150, %get3A_152 : vector<16xf32>
    %swap3A_154 = arith.constant 0 : index
    %swap3A_155 = tpu.vector_load %arg8[%swap3A_154] {strides = array<i32>} : memref<16xf32, #tpu.memory_space<vmem>>, vector<16xf32>,
    tpu.vector_store %arg8[%swap3A_154], %max3A_153 {strides = array<i32>} : memref<16xf32, #tpu.memory_space<vmem>>, vector<16xf32>,
    "tpu.region"() ({
      %run_scoped3A = tpu.sem_alloc : memref<!tpu.dma_semaphore, #tpu.memory_space<semaphore_mem>>
      %dma_start3A_156 = arith.constant 0 : i32
      %dma_start3A_157 = tpu.memref_slice %arg4[%add3A, %dma_start3A_156] : memref<32x16xf32, #tpu.memory_space<hbm>> -> memref<1x16xf32, #tpu.memory_space<hbm>>
      %dma_start3A_158 = tpu.memref_squeeze %dma_start3A_157 : memref<1x16xf32, #tpu.memory_space<hbm>> -> memref<16xf32, #tpu.memory_space<hbm>>
      %dma_start3A_159 = arith.constant 0 : i32
      %dma_start3A_160 = tpu.memref_slice %arg4[%add3A, %dma_start3A_159] : memref<32x16xf32, #tpu.memory_space<hbm>> -> memref<1x16xf32, #tpu.memory_space<hbm>>
      %dma_start3A_161 = tpu.memref_squeeze %dma_start3A_160 : memref<1x16xf32, #tpu.memory_space<hbm>> -> memref<16xf32, #tpu.memory_space<hbm>>
      tpu.enqueue_dma source(%arg8 : memref<16xf32, #tpu.memory_space<vmem>>) target(%dma_start3A_161 : memref<16xf32, #tpu.memory_space<hbm>>) target_semaphore(%run_scoped3A : memref<!tpu.dma_semaphore, #tpu.memory_space<semaphore_mem>>)
      %dma_wait3A_162 = arith.constant 0 : i32
      %dma_wait3A_163 = tpu.memref_slice %arg4[%add3A, %dma_wait3A_162] : memref<32x16xf32, #tpu.memory_space<hbm>> -> memref<1x16xf32, #tpu.memory_space<hbm>>
      %dma_wait3A_164 = tpu.memref_squeeze %dma_wait3A_163 : memref<1x16xf32, #tpu.memory_space<hbm>> -> memref<16xf32, #tpu.memory_space<hbm>>
      %dma_wait3A_165 = arith.constant 0 : i32
      %dma_wait3A_166 = tpu.memref_slice %arg4[%add3A, %dma_wait3A_165] : memref<32x16xf32, #tpu.memory_space<hbm>> -> memref<1x16xf32, #tpu.memory_space<hbm>>
      %dma_wait3A_167 = tpu.memref_squeeze %dma_wait3A_166 : memref<1x16xf32, #tpu.memory_space<hbm>> -> memref<16xf32, #tpu.memory_space<hbm>>
      tpu.wait_dma2 semaphore(%run_scoped3A : memref<!tpu.dma_semaphore, #tpu.memory_space<semaphore_mem>>) src(%arg8 : memref<16xf32, #tpu.memory_space<vmem>>) dst(%dma_wait3A_167 : memref<16xf32, #tpu.memory_space<hbm>>)
      tpu.yield
    }) : () -> ()
    return
  }
}

module attributes {stable_mosaic.version = 14 : i64} {
  func.func @_tc_quantize_body(%arg0: i32, %arg1: memref<1xf32, #tpu.memory_space<smem>>, %arg2: memref<2097152xf32, #tpu.memory_space<vmem>>, %arg3: memref<2097152xf32, #tpu.memory_space<vmem>>, %arg4: memref<1x1x128xi32, #tpu.memory_space<vmem>>) attributes {dimension_semantics = [#tpu.dimension_semantics<arbitrary>], iteration_bounds = array<i64: 4>, scalar_prefetch = 0 : i64, scratch_operands = 0 : i64, tpu.core_type = #tpu.core_type<tc>, window_params = [{transform_indices = @transform_0, window_bounds = array<i64: 1>}, {transform_indices = @transform_1, window_bounds = array<i64: 2097152>}, {transform_indices = @transform_2, window_bounds = array<i64: 2097152>}, {transform_indices = @transform_3, window_bounds = array<i64: 1, 1, 128>}]} {
    %get3A = arith.constant 0 : index
    %get3A_0 = memref.load %arg1[%get3A] : memref<1xf32, #tpu.memory_space<smem>>
    %get3A_1 = arith.constant 0 : index
    %get3A_2 = vector.load %arg2[%get3A_1] : memref<2097152xf32, #tpu.memory_space<vmem>>, vector<2097152xf32>
    %div3A = vector.broadcast %get3A_0 : f32 to vector<2097152xf32>
    %div3A_3 = arith.divf %get3A_2, %div3A : vector<2097152xf32>
    %jit3A = arith.constant -8 : i32
    %jit3A_4 = arith.constant 7 : i32
    %convert_element_type3A = arith.sitofp %jit3A : i32 to f32
    %max3A = vector.broadcast %convert_element_type3A : f32 to vector<2097152xf32>
    %max3A_5 = arith.maximumf %max3A, %div3A_3 : vector<2097152xf32>
    %convert_element_type3A_6 = arith.sitofp %jit3A_4 : i32 to f32
    %min3A = vector.broadcast %convert_element_type3A_6 : f32 to vector<2097152xf32>
    %min3A_7 = arith.minimumf %min3A, %max3A_5 : vector<2097152xf32>
    %round3A = math.roundeven %min3A_7 : vector<2097152xf32>
    %mul3A = vector.broadcast %get3A_0 : f32 to vector<2097152xf32>
    %mul3A_8 = arith.mulf %round3A, %mul3A : vector<2097152xf32>
    %swap3A = arith.constant 0 : index
    %swap3A_9 = vector.load %arg3[%swap3A] : memref<2097152xf32, #tpu.memory_space<vmem>>, vector<2097152xf32>
    tpu.vector_store %arg3[%swap3A], %mul3A_8 {strides = array<i32>} : memref<2097152xf32, #tpu.memory_space<vmem>>, vector<2097152xf32>,
    %convert_element_type3A_10 = arith.fptosi %round3A : vector<2097152xf32> to vector<2097152xi32>
    %add3A = arith.constant 8 : i32
    %add3A_11 = vector.broadcast %add3A : i32 to vector<2097152xi32>
    %add3A_12 = arith.addi %convert_element_type3A_10, %add3A_11 : vector<2097152xi32>
    %shift_left3A = arith.constant 1 : i32
    %shift_left3A_13 = vector.broadcast %shift_left3A : i32 to vector<2097152xi32>
    %shift_left3A_14 = arith.shli %shift_left3A_13, %add3A_12 : vector<2097152xi32>
    %slice3A = vector.extract_strided_slice %shift_left3A_14 {offsets = [0], sizes = [1048576], strides = [1]} : vector<2097152xi32> to vector<1048576xi32>
    %slice3A_15 = vector.extract_strided_slice %shift_left3A_14 {offsets = [1048576], sizes = [1048576], strides = [1]} : vector<2097152xi32> to vector<1048576xi32>
    %or3A = arith.ori %slice3A, %slice3A_15 : vector<1048576xi32>
    %slice3A_16 = vector.extract_strided_slice %or3A {offsets = [0], sizes = [524288], strides = [1]} : vector<1048576xi32> to vector<524288xi32>
    %slice3A_17 = vector.extract_strided_slice %or3A {offsets = [524288], sizes = [524288], strides = [1]} : vector<1048576xi32> to vector<524288xi32>
    %or3A_18 = arith.ori %slice3A_16, %slice3A_17 : vector<524288xi32>
    %slice3A_19 = vector.extract_strided_slice %or3A_18 {offsets = [0], sizes = [262144], strides = [1]} : vector<524288xi32> to vector<262144xi32>
    %slice3A_20 = vector.extract_strided_slice %or3A_18 {offsets = [262144], sizes = [262144], strides = [1]} : vector<524288xi32> to vector<262144xi32>
    %or3A_21 = arith.ori %slice3A_19, %slice3A_20 : vector<262144xi32>
    %slice3A_22 = vector.extract_strided_slice %or3A_21 {offsets = [0], sizes = [131072], strides = [1]} : vector<262144xi32> to vector<131072xi32>
    %slice3A_23 = vector.extract_strided_slice %or3A_21 {offsets = [131072], sizes = [131072], strides = [1]} : vector<262144xi32> to vector<131072xi32>
    %or3A_24 = arith.ori %slice3A_22, %slice3A_23 : vector<131072xi32>
    %slice3A_25 = vector.extract_strided_slice %or3A_24 {offsets = [0], sizes = [65536], strides = [1]} : vector<131072xi32> to vector<65536xi32>
    %slice3A_26 = vector.extract_strided_slice %or3A_24 {offsets = [65536], sizes = [65536], strides = [1]} : vector<131072xi32> to vector<65536xi32>
    %or3A_27 = arith.ori %slice3A_25, %slice3A_26 : vector<65536xi32>
    %slice3A_28 = vector.extract_strided_slice %or3A_27 {offsets = [0], sizes = [32768], strides = [1]} : vector<65536xi32> to vector<32768xi32>
    %slice3A_29 = vector.extract_strided_slice %or3A_27 {offsets = [32768], sizes = [32768], strides = [1]} : vector<65536xi32> to vector<32768xi32>
    %or3A_30 = arith.ori %slice3A_28, %slice3A_29 : vector<32768xi32>
    %slice3A_31 = vector.extract_strided_slice %or3A_30 {offsets = [0], sizes = [16384], strides = [1]} : vector<32768xi32> to vector<16384xi32>
    %slice3A_32 = vector.extract_strided_slice %or3A_30 {offsets = [16384], sizes = [16384], strides = [1]} : vector<32768xi32> to vector<16384xi32>
    %or3A_33 = arith.ori %slice3A_31, %slice3A_32 : vector<16384xi32>
    %slice3A_34 = vector.extract_strided_slice %or3A_33 {offsets = [0], sizes = [8192], strides = [1]} : vector<16384xi32> to vector<8192xi32>
    %slice3A_35 = vector.extract_strided_slice %or3A_33 {offsets = [8192], sizes = [8192], strides = [1]} : vector<16384xi32> to vector<8192xi32>
    %or3A_36 = arith.ori %slice3A_34, %slice3A_35 : vector<8192xi32>
    %slice3A_37 = vector.extract_strided_slice %or3A_36 {offsets = [0], sizes = [4096], strides = [1]} : vector<8192xi32> to vector<4096xi32>
    %slice3A_38 = vector.extract_strided_slice %or3A_36 {offsets = [4096], sizes = [4096], strides = [1]} : vector<8192xi32> to vector<4096xi32>
    %or3A_39 = arith.ori %slice3A_37, %slice3A_38 : vector<4096xi32>
    %slice3A_40 = vector.extract_strided_slice %or3A_39 {offsets = [0], sizes = [2048], strides = [1]} : vector<4096xi32> to vector<2048xi32>
    %slice3A_41 = vector.extract_strided_slice %or3A_39 {offsets = [2048], sizes = [2048], strides = [1]} : vector<4096xi32> to vector<2048xi32>
    %or3A_42 = arith.ori %slice3A_40, %slice3A_41 : vector<2048xi32>
    %slice3A_43 = vector.extract_strided_slice %or3A_42 {offsets = [0], sizes = [1024], strides = [1]} : vector<2048xi32> to vector<1024xi32>
    %slice3A_44 = vector.extract_strided_slice %or3A_42 {offsets = [1024], sizes = [1024], strides = [1]} : vector<2048xi32> to vector<1024xi32>
    %or3A_45 = arith.ori %slice3A_43, %slice3A_44 : vector<1024xi32>
    %slice3A_46 = vector.extract_strided_slice %or3A_45 {offsets = [0], sizes = [512], strides = [1]} : vector<1024xi32> to vector<512xi32>
    %slice3A_47 = vector.extract_strided_slice %or3A_45 {offsets = [512], sizes = [512], strides = [1]} : vector<1024xi32> to vector<512xi32>
    %or3A_48 = arith.ori %slice3A_46, %slice3A_47 : vector<512xi32>
    %slice3A_49 = vector.extract_strided_slice %or3A_48 {offsets = [0], sizes = [256], strides = [1]} : vector<512xi32> to vector<256xi32>
    %slice3A_50 = vector.extract_strided_slice %or3A_48 {offsets = [256], sizes = [256], strides = [1]} : vector<512xi32> to vector<256xi32>
    %or3A_51 = arith.ori %slice3A_49, %slice3A_50 : vector<256xi32>
    %slice3A_52 = vector.extract_strided_slice %or3A_51 {offsets = [0], sizes = [128], strides = [1]} : vector<256xi32> to vector<128xi32>
    %slice3A_53 = vector.extract_strided_slice %or3A_51 {offsets = [128], sizes = [128], strides = [1]} : vector<256xi32> to vector<128xi32>
    %or3A_54 = arith.ori %slice3A_52, %slice3A_53 : vector<128xi32>
    %ge3A = arith.constant 1 : i32
    %ge3A_55 = arith.cmpi sge, %arg0, %ge3A : i32
    %broadcast_in_dim3A = arith.constant 0 : i32
    %broadcast_in_dim3A_56 = vector.broadcast %broadcast_in_dim3A : i32 to vector<128xi32>
    %select_n3A = arith.select %ge3A_55, %or3A_54, %broadcast_in_dim3A_56 : vector<128xi32>
    %broadcast_in_dim3A_57 = vector.shape_cast %select_n3A : vector<128xi32> to vector<1x1x128xi32>
    %swap3A_58 = arith.constant 0 : index
    %swap3A_59 = arith.constant 0 : index
    %swap3A_60 = arith.constant 0 : index
    %swap3A_61 = vector.load %arg4[%swap3A_58, %swap3A_59, %swap3A_60] : memref<1x1x128xi32, #tpu.memory_space<vmem>>, vector<1x1x128xi32>
    tpu.vector_store %arg4[%swap3A_58, %swap3A_59, %swap3A_60], %broadcast_in_dim3A_57 {strides = array<i32>} : memref<1x1x128xi32, #tpu.memory_space<vmem>>, vector<1x1x128xi32>,
    return
  }
  func.func @transform_0(%arg0: i32) -> i32 {
    %c0_i32 = arith.constant 0 : i32
    %c0_i32_0 = arith.constant 0 : i32
    return %c0_i32 : i32
  }
  func.func @transform_1(%arg0: i32) -> i32 {
    %c0_i32 = arith.constant 0 : i32
    return %arg0 : i32
  }
  func.func @transform_2(%arg0: i32) -> i32 {
    %c0_i32 = arith.constant 0 : i32
    return %arg0 : i32
  }
  func.func @transform_3(%arg0: i32) -> (i32, i32, i32) {
    %c0_i32 = arith.constant 0 : i32
    %c0_i32_0 = arith.constant 0 : i32
    %c0_i32_1 = arith.constant 0 : i32
    return %arg0, %c0_i32, %c0_i32_0 : i32, i32, i32
  }
}

module attributes {stable_mosaic.version = 14 : i64} {
  func.func @_combine_body(%arg0: memref<32x16xf32, #tpu.memory_space<vmem>>, %arg1: memref<4x1x128xi32, #tpu.memory_space<vmem>>, %arg2: memref<1x1xf32, #tpu.memory_space<vmem>>, %arg3: memref<1xf32, #tpu.memory_space<smem>>) attributes {dimension_semantics = [], scalar_prefetch = 0 : i64, scratch_operands = 0 : i64, tpu.core_type = #tpu.core_type<tc>} {
    %get3A = arith.constant 0 : index
    %get3A_0 = arith.constant 0 : index
    %get3A_1 = vector.load %arg2[%get3A, %get3A_0] : memref<1x1xf32, #tpu.memory_space<vmem>>, vector<1x1xf32>
    %get3A_2 = vector.extract %get3A_1[0, 0] : f32 from vector<1x1xf32>
    %get3A_3 = arith.constant 0 : index
    %get3A_4 = arith.constant 0 : index
    %get3A_5 = vector.load %arg0[%get3A_3, %get3A_4] : memref<32x16xf32, #tpu.memory_space<vmem>>, vector<32x16xf32>
    %get3A_6 = arith.constant 0 : index
    %get3A_7 = arith.constant 0 : index
    %get3A_8 = arith.constant 0 : index
    %get3A_9 = vector.load %arg1[%get3A_6, %get3A_7, %get3A_8] : memref<4x1x128xi32, #tpu.memory_space<vmem>>, vector<4x1x128xi32>
    %shift_right_arithmetic3A = arith.constant 0 : i32
    %shift_right_arithmetic3A_10 = vector.broadcast %shift_right_arithmetic3A : i32 to vector<4x1x128xi32>
    %shift_right_arithmetic3A_11 = arith.shrsi %get3A_9, %shift_right_arithmetic3A_10 : vector<4x1x128xi32>
    %and3A = arith.constant 1 : i32
    %and3A_12 = vector.broadcast %and3A : i32 to vector<4x1x128xi32>
    %and3A_13 = arith.andi %shift_right_arithmetic3A_11, %and3A_12 : vector<4x1x128xi32>
    %reduce_max3A = vector.shape_cast %and3A_13 : vector<4x1x128xi32> to vector<1x4x1x128xi32>
    %reduce_max3A_14 = arith.constant dense<-2147483648> : vector<1xi32>
    %reduce_max3A_15 = vector.multi_reduction <maxsi>, %reduce_max3A, %reduce_max3A_14 [1, 2, 3] : vector<1x4x1x128xi32> to vector<1xi32>
    %reduce_max3A_16 = vector.shape_cast %reduce_max3A_15 : vector<1xi32> to vector<1x1x1x1xi32>
    %reduce_max3A_17 = vector.extract %reduce_max3A_16[0, 0, 0, 0] : i32 from vector<1x1x1x1xi32>
    %slice3A = vector.extract_strided_slice %get3A_5 {offsets = [0, 0], sizes = [32, 1], strides = [1, 1]} : vector<32x16xf32> to vector<32x1xf32>
    %squeeze3A = vector.shape_cast %slice3A : vector<32x1xf32> to vector<32xf32>
    %reduce_max3A_18 = vector.shape_cast %squeeze3A : vector<32xf32> to vector<1x32xf32>
    %reduce_max3A_19 = arith.constant dense<0xFF800000> : vector<1xf32>
    %reduce_max3A_20 = vector.multi_reduction <maximumf>, %reduce_max3A_18, %reduce_max3A_19 [1] : vector<1x32xf32> to vector<1xf32>
    %reduce_max3A_21 = vector.shape_cast %reduce_max3A_20 : vector<1xf32> to vector<1x1xf32>
    %reduce_max3A_22 = vector.extract %reduce_max3A_21[0, 0] : f32 from vector<1x1xf32>
    %sub3A = arith.constant 0.000000e+00 : f32
    %sub3A_23 = arith.constant 8.000000e+00 : f32
    %sub3A_24 = arith.subf %sub3A, %sub3A_23 : f32
    %mul3A = arith.mulf %sub3A_24, %get3A_2 : f32
    %mul3A_25 = arith.constant 5.000000e-01 : f32
    %mul3A_26 = arith.mulf %get3A_2, %mul3A_25 : f32
    %add3A = arith.constant -8.000000e+00 : f32
    %add3A_27 = arith.addf %add3A, %mul3A_26 : f32
    %mul3A_28 = arith.constant 0.000000e+00 : f32
    %mul3A_29 = arith.mulf %mul3A_28, %get3A_2 : f32
    %add3A_30 = arith.addf %add3A_27, %mul3A_29 : f32
    %sub3A_31 = arith.subf %mul3A, %add3A_30 : f32
    %gt3A = arith.constant 0 : i32
    %gt3A_32 = arith.cmpi sgt, %reduce_max3A_17, %gt3A : i32
    %gt3A_33 = arith.constant 5.000000e-01 : f32
    %gt3A_34 = arith.cmpf ogt, %reduce_max3A_22, %gt3A_33 : f32
    %or3A = arith.ori %gt3A_32, %gt3A_34 : i1
    %mul3A_35 = arith.mulf %sub3A_31, %sub3A_31 : f32
    %jit3A = arith.constant 0.000000e+00 : f32
    %select_n3A = arith.select %or3A, %mul3A_35, %jit3A : f32
    %add3A_36 = arith.constant 0.000000e+00 : f32
    %add3A_37 = arith.addf %add3A_36, %select_n3A : f32
    %shift_right_arithmetic3A_38 = arith.constant 1 : i32
    %shift_right_arithmetic3A_39 = vector.broadcast %shift_right_arithmetic3A_38 : i32 to vector<4x1x128xi32>
    %shift_right_arithmetic3A_40 = arith.shrsi %get3A_9, %shift_right_arithmetic3A_39 : vector<4x1x128xi32>
    %and3A_41 = arith.constant 1 : i32
    %and3A_42 = vector.broadcast %and3A_41 : i32 to vector<4x1x128xi32>
    %and3A_43 = arith.andi %shift_right_arithmetic3A_40, %and3A_42 : vector<4x1x128xi32>
    %reduce_max3A_44 = vector.shape_cast %and3A_43 : vector<4x1x128xi32> to vector<1x4x1x128xi32>
    %reduce_max3A_45 = arith.constant dense<-2147483648> : vector<1xi32>
    %reduce_max3A_46 = vector.multi_reduction <maxsi>, %reduce_max3A_44, %reduce_max3A_45 [1, 2, 3] : vector<1x4x1x128xi32> to vector<1xi32>
    %reduce_max3A_47 = vector.shape_cast %reduce_max3A_46 : vector<1xi32> to vector<1x1x1x1xi32>
    %reduce_max3A_48 = vector.extract %reduce_max3A_47[0, 0, 0, 0] : i32 from vector<1x1x1x1xi32>
    %slice3A_49 = vector.extract_strided_slice %get3A_5 {offsets = [0, 1], sizes = [32, 1], strides = [1, 1]} : vector<32x16xf32> to vector<32x1xf32>
    %squeeze3A_50 = vector.shape_cast %slice3A_49 : vector<32x1xf32> to vector<32xf32>
    %reduce_max3A_51 = vector.shape_cast %squeeze3A_50 : vector<32xf32> to vector<1x32xf32>
    %reduce_max3A_52 = arith.constant dense<0xFF800000> : vector<1xf32>
    %reduce_max3A_53 = vector.multi_reduction <maximumf>, %reduce_max3A_51, %reduce_max3A_52 [1] : vector<1x32xf32> to vector<1xf32>
    %reduce_max3A_54 = vector.shape_cast %reduce_max3A_53 : vector<1xf32> to vector<1x1xf32>
    %reduce_max3A_55 = vector.extract %reduce_max3A_54[0, 0] : f32 from vector<1x1xf32>
    %sub3A_56 = arith.constant 1.000000e+00 : f32
    %sub3A_57 = arith.constant 8.000000e+00 : f32
    %sub3A_58 = arith.subf %sub3A_56, %sub3A_57 : f32
    %mul3A_59 = arith.mulf %sub3A_58, %get3A_2 : f32
    %mul3A_60 = arith.constant 5.000000e-01 : f32
    %mul3A_61 = arith.mulf %get3A_2, %mul3A_60 : f32
    %add3A_62 = arith.constant -8.000000e+00 : f32
    %add3A_63 = arith.addf %add3A_62, %mul3A_61 : f32
    %mul3A_64 = arith.constant 1.000000e+00 : f32
    %mul3A_65 = arith.mulf %mul3A_64, %get3A_2 : f32
    %add3A_66 = arith.addf %add3A_63, %mul3A_65 : f32
    %sub3A_67 = arith.subf %mul3A_59, %add3A_66 : f32
    %gt3A_68 = arith.constant 0 : i32
    %gt3A_69 = arith.cmpi sgt, %reduce_max3A_48, %gt3A_68 : i32
    %gt3A_70 = arith.constant 5.000000e-01 : f32
    %gt3A_71 = arith.cmpf ogt, %reduce_max3A_55, %gt3A_70 : f32
    %or3A_72 = arith.ori %gt3A_69, %gt3A_71 : i1
    %mul3A_73 = arith.mulf %sub3A_67, %sub3A_67 : f32
    %jit3A_74 = arith.constant 0.000000e+00 : f32
    %select_n3A_75 = arith.select %or3A_72, %mul3A_73, %jit3A_74 : f32
    %add3A_76 = arith.addf %add3A_37, %select_n3A_75 : f32
    %shift_right_arithmetic3A_77 = arith.constant 2 : i32
    %shift_right_arithmetic3A_78 = vector.broadcast %shift_right_arithmetic3A_77 : i32 to vector<4x1x128xi32>
    %shift_right_arithmetic3A_79 = arith.shrsi %get3A_9, %shift_right_arithmetic3A_78 : vector<4x1x128xi32>
    %and3A_80 = arith.constant 1 : i32
    %and3A_81 = vector.broadcast %and3A_80 : i32 to vector<4x1x128xi32>
    %and3A_82 = arith.andi %shift_right_arithmetic3A_79, %and3A_81 : vector<4x1x128xi32>
    %reduce_max3A_83 = vector.shape_cast %and3A_82 : vector<4x1x128xi32> to vector<1x4x1x128xi32>
    %reduce_max3A_84 = arith.constant dense<-2147483648> : vector<1xi32>
    %reduce_max3A_85 = vector.multi_reduction <maxsi>, %reduce_max3A_83, %reduce_max3A_84 [1, 2, 3] : vector<1x4x1x128xi32> to vector<1xi32>
    %reduce_max3A_86 = vector.shape_cast %reduce_max3A_85 : vector<1xi32> to vector<1x1x1x1xi32>
    %reduce_max3A_87 = vector.extract %reduce_max3A_86[0, 0, 0, 0] : i32 from vector<1x1x1x1xi32>
    %slice3A_88 = vector.extract_strided_slice %get3A_5 {offsets = [0, 2], sizes = [32, 1], strides = [1, 1]} : vector<32x16xf32> to vector<32x1xf32>
    %squeeze3A_89 = vector.shape_cast %slice3A_88 : vector<32x1xf32> to vector<32xf32>
    %reduce_max3A_90 = vector.shape_cast %squeeze3A_89 : vector<32xf32> to vector<1x32xf32>
    %reduce_max3A_91 = arith.constant dense<0xFF800000> : vector<1xf32>
    %reduce_max3A_92 = vector.multi_reduction <maximumf>, %reduce_max3A_90, %reduce_max3A_91 [1] : vector<1x32xf32> to vector<1xf32>
    %reduce_max3A_93 = vector.shape_cast %reduce_max3A_92 : vector<1xf32> to vector<1x1xf32>
    %reduce_max3A_94 = vector.extract %reduce_max3A_93[0, 0] : f32 from vector<1x1xf32>
    %sub3A_95 = arith.constant 2.000000e+00 : f32
    %sub3A_96 = arith.constant 8.000000e+00 : f32
    %sub3A_97 = arith.subf %sub3A_95, %sub3A_96 : f32
    %mul3A_98 = arith.mulf %sub3A_97, %get3A_2 : f32
    %mul3A_99 = arith.constant 5.000000e-01 : f32
    %mul3A_100 = arith.mulf %get3A_2, %mul3A_99 : f32
    %add3A_101 = arith.constant -8.000000e+00 : f32
    %add3A_102 = arith.addf %add3A_101, %mul3A_100 : f32
    %mul3A_103 = arith.constant 2.000000e+00 : f32
    %mul3A_104 = arith.mulf %mul3A_103, %get3A_2 : f32
    %add3A_105 = arith.addf %add3A_102, %mul3A_104 : f32
    %sub3A_106 = arith.subf %mul3A_98, %add3A_105 : f32
    %gt3A_107 = arith.constant 0 : i32
    %gt3A_108 = arith.cmpi sgt, %reduce_max3A_87, %gt3A_107 : i32
    %gt3A_109 = arith.constant 5.000000e-01 : f32
    %gt3A_110 = arith.cmpf ogt, %reduce_max3A_94, %gt3A_109 : f32
    %or3A_111 = arith.ori %gt3A_108, %gt3A_110 : i1
    %mul3A_112 = arith.mulf %sub3A_106, %sub3A_106 : f32
    %jit3A_113 = arith.constant 0.000000e+00 : f32
    %select_n3A_114 = arith.select %or3A_111, %mul3A_112, %jit3A_113 : f32
    %add3A_115 = arith.addf %add3A_76, %select_n3A_114 : f32
    %shift_right_arithmetic3A_116 = arith.constant 3 : i32
    %shift_right_arithmetic3A_117 = vector.broadcast %shift_right_arithmetic3A_116 : i32 to vector<4x1x128xi32>
    %shift_right_arithmetic3A_118 = arith.shrsi %get3A_9, %shift_right_arithmetic3A_117 : vector<4x1x128xi32>
    %and3A_119 = arith.constant 1 : i32
    %and3A_120 = vector.broadcast %and3A_119 : i32 to vector<4x1x128xi32>
    %and3A_121 = arith.andi %shift_right_arithmetic3A_118, %and3A_120 : vector<4x1x128xi32>
    %reduce_max3A_122 = vector.shape_cast %and3A_121 : vector<4x1x128xi32> to vector<1x4x1x128xi32>
    %reduce_max3A_123 = arith.constant dense<-2147483648> : vector<1xi32>
    %reduce_max3A_124 = vector.multi_reduction <maxsi>, %reduce_max3A_122, %reduce_max3A_123 [1, 2, 3] : vector<1x4x1x128xi32> to vector<1xi32>
    %reduce_max3A_125 = vector.shape_cast %reduce_max3A_124 : vector<1xi32> to vector<1x1x1x1xi32>
    %reduce_max3A_126 = vector.extract %reduce_max3A_125[0, 0, 0, 0] : i32 from vector<1x1x1x1xi32>
    %slice3A_127 = vector.extract_strided_slice %get3A_5 {offsets = [0, 3], sizes = [32, 1], strides = [1, 1]} : vector<32x16xf32> to vector<32x1xf32>
    %squeeze3A_128 = vector.shape_cast %slice3A_127 : vector<32x1xf32> to vector<32xf32>
    %reduce_max3A_129 = vector.shape_cast %squeeze3A_128 : vector<32xf32> to vector<1x32xf32>
    %reduce_max3A_130 = arith.constant dense<0xFF800000> : vector<1xf32>
    %reduce_max3A_131 = vector.multi_reduction <maximumf>, %reduce_max3A_129, %reduce_max3A_130 [1] : vector<1x32xf32> to vector<1xf32>
    %reduce_max3A_132 = vector.shape_cast %reduce_max3A_131 : vector<1xf32> to vector<1x1xf32>
    %reduce_max3A_133 = vector.extract %reduce_max3A_132[0, 0] : f32 from vector<1x1xf32>
    %sub3A_134 = arith.constant 3.000000e+00 : f32
    %sub3A_135 = arith.constant 8.000000e+00 : f32
    %sub3A_136 = arith.subf %sub3A_134, %sub3A_135 : f32
    %mul3A_137 = arith.mulf %sub3A_136, %get3A_2 : f32
    %mul3A_138 = arith.constant 5.000000e-01 : f32
    %mul3A_139 = arith.mulf %get3A_2, %mul3A_138 : f32
    %add3A_140 = arith.constant -8.000000e+00 : f32
    %add3A_141 = arith.addf %add3A_140, %mul3A_139 : f32
    %mul3A_142 = arith.constant 3.000000e+00 : f32
    %mul3A_143 = arith.mulf %mul3A_142, %get3A_2 : f32
    %add3A_144 = arith.addf %add3A_141, %mul3A_143 : f32
    %sub3A_145 = arith.subf %mul3A_137, %add3A_144 : f32
    %gt3A_146 = arith.constant 0 : i32
    %gt3A_147 = arith.cmpi sgt, %reduce_max3A_126, %gt3A_146 : i32
    %gt3A_148 = arith.constant 5.000000e-01 : f32
    %gt3A_149 = arith.cmpf ogt, %reduce_max3A_133, %gt3A_148 : f32
    %or3A_150 = arith.ori %gt3A_147, %gt3A_149 : i1
    %mul3A_151 = arith.mulf %sub3A_145, %sub3A_145 : f32
    %jit3A_152 = arith.constant 0.000000e+00 : f32
    %select_n3A_153 = arith.select %or3A_150, %mul3A_151, %jit3A_152 : f32
    %add3A_154 = arith.addf %add3A_115, %select_n3A_153 : f32
    %shift_right_arithmetic3A_155 = arith.constant 4 : i32
    %shift_right_arithmetic3A_156 = vector.broadcast %shift_right_arithmetic3A_155 : i32 to vector<4x1x128xi32>
    %shift_right_arithmetic3A_157 = arith.shrsi %get3A_9, %shift_right_arithmetic3A_156 : vector<4x1x128xi32>
    %and3A_158 = arith.constant 1 : i32
    %and3A_159 = vector.broadcast %and3A_158 : i32 to vector<4x1x128xi32>
    %and3A_160 = arith.andi %shift_right_arithmetic3A_157, %and3A_159 : vector<4x1x128xi32>
    %reduce_max3A_161 = vector.shape_cast %and3A_160 : vector<4x1x128xi32> to vector<1x4x1x128xi32>
    %reduce_max3A_162 = arith.constant dense<-2147483648> : vector<1xi32>
    %reduce_max3A_163 = vector.multi_reduction <maxsi>, %reduce_max3A_161, %reduce_max3A_162 [1, 2, 3] : vector<1x4x1x128xi32> to vector<1xi32>
    %reduce_max3A_164 = vector.shape_cast %reduce_max3A_163 : vector<1xi32> to vector<1x1x1x1xi32>
    %reduce_max3A_165 = vector.extract %reduce_max3A_164[0, 0, 0, 0] : i32 from vector<1x1x1x1xi32>
    %slice3A_166 = vector.extract_strided_slice %get3A_5 {offsets = [0, 4], sizes = [32, 1], strides = [1, 1]} : vector<32x16xf32> to vector<32x1xf32>
    %squeeze3A_167 = vector.shape_cast %slice3A_166 : vector<32x1xf32> to vector<32xf32>
    %reduce_max3A_168 = vector.shape_cast %squeeze3A_167 : vector<32xf32> to vector<1x32xf32>
    %reduce_max3A_169 = arith.constant dense<0xFF800000> : vector<1xf32>
    %reduce_max3A_170 = vector.multi_reduction <maximumf>, %reduce_max3A_168, %reduce_max3A_169 [1] : vector<1x32xf32> to vector<1xf32>
    %reduce_max3A_171 = vector.shape_cast %reduce_max3A_170 : vector<1xf32> to vector<1x1xf32>
    %reduce_max3A_172 = vector.extract %reduce_max3A_171[0, 0] : f32 from vector<1x1xf32>
    %sub3A_173 = arith.constant 4.000000e+00 : f32
    %sub3A_174 = arith.constant 8.000000e+00 : f32
    %sub3A_175 = arith.subf %sub3A_173, %sub3A_174 : f32
    %mul3A_176 = arith.mulf %sub3A_175, %get3A_2 : f32
    %mul3A_177 = arith.constant 5.000000e-01 : f32
    %mul3A_178 = arith.mulf %get3A_2, %mul3A_177 : f32
    %add3A_179 = arith.constant -8.000000e+00 : f32
    %add3A_180 = arith.addf %add3A_179, %mul3A_178 : f32
    %mul3A_181 = arith.constant 4.000000e+00 : f32
    %mul3A_182 = arith.mulf %mul3A_181, %get3A_2 : f32
    %add3A_183 = arith.addf %add3A_180, %mul3A_182 : f32
    %sub3A_184 = arith.subf %mul3A_176, %add3A_183 : f32
    %gt3A_185 = arith.constant 0 : i32
    %gt3A_186 = arith.cmpi sgt, %reduce_max3A_165, %gt3A_185 : i32
    %gt3A_187 = arith.constant 5.000000e-01 : f32
    %gt3A_188 = arith.cmpf ogt, %reduce_max3A_172, %gt3A_187 : f32
    %or3A_189 = arith.ori %gt3A_186, %gt3A_188 : i1
    %mul3A_190 = arith.mulf %sub3A_184, %sub3A_184 : f32
    %jit3A_191 = arith.constant 0.000000e+00 : f32
    %select_n3A_192 = arith.select %or3A_189, %mul3A_190, %jit3A_191 : f32
    %add3A_193 = arith.addf %add3A_154, %select_n3A_192 : f32
    %shift_right_arithmetic3A_194 = arith.constant 5 : i32
    %shift_right_arithmetic3A_195 = vector.broadcast %shift_right_arithmetic3A_194 : i32 to vector<4x1x128xi32>
    %shift_right_arithmetic3A_196 = arith.shrsi %get3A_9, %shift_right_arithmetic3A_195 : vector<4x1x128xi32>
    %and3A_197 = arith.constant 1 : i32
    %and3A_198 = vector.broadcast %and3A_197 : i32 to vector<4x1x128xi32>
    %and3A_199 = arith.andi %shift_right_arithmetic3A_196, %and3A_198 : vector<4x1x128xi32>
    %reduce_max3A_200 = vector.shape_cast %and3A_199 : vector<4x1x128xi32> to vector<1x4x1x128xi32>
    %reduce_max3A_201 = arith.constant dense<-2147483648> : vector<1xi32>
    %reduce_max3A_202 = vector.multi_reduction <maxsi>, %reduce_max3A_200, %reduce_max3A_201 [1, 2, 3] : vector<1x4x1x128xi32> to vector<1xi32>
    %reduce_max3A_203 = vector.shape_cast %reduce_max3A_202 : vector<1xi32> to vector<1x1x1x1xi32>
    %reduce_max3A_204 = vector.extract %reduce_max3A_203[0, 0, 0, 0] : i32 from vector<1x1x1x1xi32>
    %slice3A_205 = vector.extract_strided_slice %get3A_5 {offsets = [0, 5], sizes = [32, 1], strides = [1, 1]} : vector<32x16xf32> to vector<32x1xf32>
    %squeeze3A_206 = vector.shape_cast %slice3A_205 : vector<32x1xf32> to vector<32xf32>
    %reduce_max3A_207 = vector.shape_cast %squeeze3A_206 : vector<32xf32> to vector<1x32xf32>
    %reduce_max3A_208 = arith.constant dense<0xFF800000> : vector<1xf32>
    %reduce_max3A_209 = vector.multi_reduction <maximumf>, %reduce_max3A_207, %reduce_max3A_208 [1] : vector<1x32xf32> to vector<1xf32>
    %reduce_max3A_210 = vector.shape_cast %reduce_max3A_209 : vector<1xf32> to vector<1x1xf32>
    %reduce_max3A_211 = vector.extract %reduce_max3A_210[0, 0] : f32 from vector<1x1xf32>
    %sub3A_212 = arith.constant 5.000000e+00 : f32
    %sub3A_213 = arith.constant 8.000000e+00 : f32
    %sub3A_214 = arith.subf %sub3A_212, %sub3A_213 : f32
    %mul3A_215 = arith.mulf %sub3A_214, %get3A_2 : f32
    %mul3A_216 = arith.constant 5.000000e-01 : f32
    %mul3A_217 = arith.mulf %get3A_2, %mul3A_216 : f32
    %add3A_218 = arith.constant -8.000000e+00 : f32
    %add3A_219 = arith.addf %add3A_218, %mul3A_217 : f32
    %mul3A_220 = arith.constant 5.000000e+00 : f32
    %mul3A_221 = arith.mulf %mul3A_220, %get3A_2 : f32
    %add3A_222 = arith.addf %add3A_219, %mul3A_221 : f32
    %sub3A_223 = arith.subf %mul3A_215, %add3A_222 : f32
    %gt3A_224 = arith.constant 0 : i32
    %gt3A_225 = arith.cmpi sgt, %reduce_max3A_204, %gt3A_224 : i32
    %gt3A_226 = arith.constant 5.000000e-01 : f32
    %gt3A_227 = arith.cmpf ogt, %reduce_max3A_211, %gt3A_226 : f32
    %or3A_228 = arith.ori %gt3A_225, %gt3A_227 : i1
    %mul3A_229 = arith.mulf %sub3A_223, %sub3A_223 : f32
    %jit3A_230 = arith.constant 0.000000e+00 : f32
    %select_n3A_231 = arith.select %or3A_228, %mul3A_229, %jit3A_230 : f32
    %add3A_232 = arith.addf %add3A_193, %select_n3A_231 : f32
    %shift_right_arithmetic3A_233 = arith.constant 6 : i32
    %shift_right_arithmetic3A_234 = vector.broadcast %shift_right_arithmetic3A_233 : i32 to vector<4x1x128xi32>
    %shift_right_arithmetic3A_235 = arith.shrsi %get3A_9, %shift_right_arithmetic3A_234 : vector<4x1x128xi32>
    %and3A_236 = arith.constant 1 : i32
    %and3A_237 = vector.broadcast %and3A_236 : i32 to vector<4x1x128xi32>
    %and3A_238 = arith.andi %shift_right_arithmetic3A_235, %and3A_237 : vector<4x1x128xi32>
    %reduce_max3A_239 = vector.shape_cast %and3A_238 : vector<4x1x128xi32> to vector<1x4x1x128xi32>
    %reduce_max3A_240 = arith.constant dense<-2147483648> : vector<1xi32>
    %reduce_max3A_241 = vector.multi_reduction <maxsi>, %reduce_max3A_239, %reduce_max3A_240 [1, 2, 3] : vector<1x4x1x128xi32> to vector<1xi32>
    %reduce_max3A_242 = vector.shape_cast %reduce_max3A_241 : vector<1xi32> to vector<1x1x1x1xi32>
    %reduce_max3A_243 = vector.extract %reduce_max3A_242[0, 0, 0, 0] : i32 from vector<1x1x1x1xi32>
    %slice3A_244 = vector.extract_strided_slice %get3A_5 {offsets = [0, 6], sizes = [32, 1], strides = [1, 1]} : vector<32x16xf32> to vector<32x1xf32>
    %squeeze3A_245 = vector.shape_cast %slice3A_244 : vector<32x1xf32> to vector<32xf32>
    %reduce_max3A_246 = vector.shape_cast %squeeze3A_245 : vector<32xf32> to vector<1x32xf32>
    %reduce_max3A_247 = arith.constant dense<0xFF800000> : vector<1xf32>
    %reduce_max3A_248 = vector.multi_reduction <maximumf>, %reduce_max3A_246, %reduce_max3A_247 [1] : vector<1x32xf32> to vector<1xf32>
    %reduce_max3A_249 = vector.shape_cast %reduce_max3A_248 : vector<1xf32> to vector<1x1xf32>
    %reduce_max3A_250 = vector.extract %reduce_max3A_249[0, 0] : f32 from vector<1x1xf32>
    %sub3A_251 = arith.constant 6.000000e+00 : f32
    %sub3A_252 = arith.constant 8.000000e+00 : f32
    %sub3A_253 = arith.subf %sub3A_251, %sub3A_252 : f32
    %mul3A_254 = arith.mulf %sub3A_253, %get3A_2 : f32
    %mul3A_255 = arith.constant 5.000000e-01 : f32
    %mul3A_256 = arith.mulf %get3A_2, %mul3A_255 : f32
    %add3A_257 = arith.constant -8.000000e+00 : f32
    %add3A_258 = arith.addf %add3A_257, %mul3A_256 : f32
    %mul3A_259 = arith.constant 6.000000e+00 : f32
    %mul3A_260 = arith.mulf %mul3A_259, %get3A_2 : f32
    %add3A_261 = arith.addf %add3A_258, %mul3A_260 : f32
    %sub3A_262 = arith.subf %mul3A_254, %add3A_261 : f32
    %gt3A_263 = arith.constant 0 : i32
    %gt3A_264 = arith.cmpi sgt, %reduce_max3A_243, %gt3A_263 : i32
    %gt3A_265 = arith.constant 5.000000e-01 : f32
    %gt3A_266 = arith.cmpf ogt, %reduce_max3A_250, %gt3A_265 : f32
    %or3A_267 = arith.ori %gt3A_264, %gt3A_266 : i1
    %mul3A_268 = arith.mulf %sub3A_262, %sub3A_262 : f32
    %jit3A_269 = arith.constant 0.000000e+00 : f32
    %select_n3A_270 = arith.select %or3A_267, %mul3A_268, %jit3A_269 : f32
    %add3A_271 = arith.addf %add3A_232, %select_n3A_270 : f32
    %shift_right_arithmetic3A_272 = arith.constant 7 : i32
    %shift_right_arithmetic3A_273 = vector.broadcast %shift_right_arithmetic3A_272 : i32 to vector<4x1x128xi32>
    %shift_right_arithmetic3A_274 = arith.shrsi %get3A_9, %shift_right_arithmetic3A_273 : vector<4x1x128xi32>
    %and3A_275 = arith.constant 1 : i32
    %and3A_276 = vector.broadcast %and3A_275 : i32 to vector<4x1x128xi32>
    %and3A_277 = arith.andi %shift_right_arithmetic3A_274, %and3A_276 : vector<4x1x128xi32>
    %reduce_max3A_278 = vector.shape_cast %and3A_277 : vector<4x1x128xi32> to vector<1x4x1x128xi32>
    %reduce_max3A_279 = arith.constant dense<-2147483648> : vector<1xi32>
    %reduce_max3A_280 = vector.multi_reduction <maxsi>, %reduce_max3A_278, %reduce_max3A_279 [1, 2, 3] : vector<1x4x1x128xi32> to vector<1xi32>
    %reduce_max3A_281 = vector.shape_cast %reduce_max3A_280 : vector<1xi32> to vector<1x1x1x1xi32>
    %reduce_max3A_282 = vector.extract %reduce_max3A_281[0, 0, 0, 0] : i32 from vector<1x1x1x1xi32>
    %slice3A_283 = vector.extract_strided_slice %get3A_5 {offsets = [0, 7], sizes = [32, 1], strides = [1, 1]} : vector<32x16xf32> to vector<32x1xf32>
    %squeeze3A_284 = vector.shape_cast %slice3A_283 : vector<32x1xf32> to vector<32xf32>
    %reduce_max3A_285 = vector.shape_cast %squeeze3A_284 : vector<32xf32> to vector<1x32xf32>
    %reduce_max3A_286 = arith.constant dense<0xFF800000> : vector<1xf32>
    %reduce_max3A_287 = vector.multi_reduction <maximumf>, %reduce_max3A_285, %reduce_max3A_286 [1] : vector<1x32xf32> to vector<1xf32>
    %reduce_max3A_288 = vector.shape_cast %reduce_max3A_287 : vector<1xf32> to vector<1x1xf32>
    %reduce_max3A_289 = vector.extract %reduce_max3A_288[0, 0] : f32 from vector<1x1xf32>
    %sub3A_290 = arith.constant 7.000000e+00 : f32
    %sub3A_291 = arith.constant 8.000000e+00 : f32
    %sub3A_292 = arith.subf %sub3A_290, %sub3A_291 : f32
    %mul3A_293 = arith.mulf %sub3A_292, %get3A_2 : f32
    %mul3A_294 = arith.constant 5.000000e-01 : f32
    %mul3A_295 = arith.mulf %get3A_2, %mul3A_294 : f32
    %add3A_296 = arith.constant -8.000000e+00 : f32
    %add3A_297 = arith.addf %add3A_296, %mul3A_295 : f32
    %mul3A_298 = arith.constant 7.000000e+00 : f32
    %mul3A_299 = arith.mulf %mul3A_298, %get3A_2 : f32
    %add3A_300 = arith.addf %add3A_297, %mul3A_299 : f32
    %sub3A_301 = arith.subf %mul3A_293, %add3A_300 : f32
    %gt3A_302 = arith.constant 0 : i32
    %gt3A_303 = arith.cmpi sgt, %reduce_max3A_282, %gt3A_302 : i32
    %gt3A_304 = arith.constant 5.000000e-01 : f32
    %gt3A_305 = arith.cmpf ogt, %reduce_max3A_289, %gt3A_304 : f32
    %or3A_306 = arith.ori %gt3A_303, %gt3A_305 : i1
    %mul3A_307 = arith.mulf %sub3A_301, %sub3A_301 : f32
    %jit3A_308 = arith.constant 0.000000e+00 : f32
    %select_n3A_309 = arith.select %or3A_306, %mul3A_307, %jit3A_308 : f32
    %add3A_310 = arith.addf %add3A_271, %select_n3A_309 : f32
    %shift_right_arithmetic3A_311 = arith.constant 8 : i32
    %shift_right_arithmetic3A_312 = vector.broadcast %shift_right_arithmetic3A_311 : i32 to vector<4x1x128xi32>
    %shift_right_arithmetic3A_313 = arith.shrsi %get3A_9, %shift_right_arithmetic3A_312 : vector<4x1x128xi32>
    %and3A_314 = arith.constant 1 : i32
    %and3A_315 = vector.broadcast %and3A_314 : i32 to vector<4x1x128xi32>
    %and3A_316 = arith.andi %shift_right_arithmetic3A_313, %and3A_315 : vector<4x1x128xi32>
    %reduce_max3A_317 = vector.shape_cast %and3A_316 : vector<4x1x128xi32> to vector<1x4x1x128xi32>
    %reduce_max3A_318 = arith.constant dense<-2147483648> : vector<1xi32>
    %reduce_max3A_319 = vector.multi_reduction <maxsi>, %reduce_max3A_317, %reduce_max3A_318 [1, 2, 3] : vector<1x4x1x128xi32> to vector<1xi32>
    %reduce_max3A_320 = vector.shape_cast %reduce_max3A_319 : vector<1xi32> to vector<1x1x1x1xi32>
    %reduce_max3A_321 = vector.extract %reduce_max3A_320[0, 0, 0, 0] : i32 from vector<1x1x1x1xi32>
    %slice3A_322 = vector.extract_strided_slice %get3A_5 {offsets = [0, 8], sizes = [32, 1], strides = [1, 1]} : vector<32x16xf32> to vector<32x1xf32>
    %squeeze3A_323 = vector.shape_cast %slice3A_322 : vector<32x1xf32> to vector<32xf32>
    %reduce_max3A_324 = vector.shape_cast %squeeze3A_323 : vector<32xf32> to vector<1x32xf32>
    %reduce_max3A_325 = arith.constant dense<0xFF800000> : vector<1xf32>
    %reduce_max3A_326 = vector.multi_reduction <maximumf>, %reduce_max3A_324, %reduce_max3A_325 [1] : vector<1x32xf32> to vector<1xf32>
    %reduce_max3A_327 = vector.shape_cast %reduce_max3A_326 : vector<1xf32> to vector<1x1xf32>
    %reduce_max3A_328 = vector.extract %reduce_max3A_327[0, 0] : f32 from vector<1x1xf32>
    %sub3A_329 = arith.constant 8.000000e+00 : f32
    %sub3A_330 = arith.constant 8.000000e+00 : f32
    %sub3A_331 = arith.subf %sub3A_329, %sub3A_330 : f32
    %mul3A_332 = arith.mulf %sub3A_331, %get3A_2 : f32
    %mul3A_333 = arith.constant 5.000000e-01 : f32
    %mul3A_334 = arith.mulf %get3A_2, %mul3A_333 : f32
    %add3A_335 = arith.constant -8.000000e+00 : f32
    %add3A_336 = arith.addf %add3A_335, %mul3A_334 : f32
    %mul3A_337 = arith.constant 8.000000e+00 : f32
    %mul3A_338 = arith.mulf %mul3A_337, %get3A_2 : f32
    %add3A_339 = arith.addf %add3A_336, %mul3A_338 : f32
    %sub3A_340 = arith.subf %mul3A_332, %add3A_339 : f32
    %gt3A_341 = arith.constant 0 : i32
    %gt3A_342 = arith.cmpi sgt, %reduce_max3A_321, %gt3A_341 : i32
    %gt3A_343 = arith.constant 5.000000e-01 : f32
    %gt3A_344 = arith.cmpf ogt, %reduce_max3A_328, %gt3A_343 : f32
    %or3A_345 = arith.ori %gt3A_342, %gt3A_344 : i1
    %mul3A_346 = arith.mulf %sub3A_340, %sub3A_340 : f32
    %jit3A_347 = arith.constant 0.000000e+00 : f32
    %select_n3A_348 = arith.select %or3A_345, %mul3A_346, %jit3A_347 : f32
    %add3A_349 = arith.addf %add3A_310, %select_n3A_348 : f32
    %shift_right_arithmetic3A_350 = arith.constant 9 : i32
    %shift_right_arithmetic3A_351 = vector.broadcast %shift_right_arithmetic3A_350 : i32 to vector<4x1x128xi32>
    %shift_right_arithmetic3A_352 = arith.shrsi %get3A_9, %shift_right_arithmetic3A_351 : vector<4x1x128xi32>
    %and3A_353 = arith.constant 1 : i32
    %and3A_354 = vector.broadcast %and3A_353 : i32 to vector<4x1x128xi32>
    %and3A_355 = arith.andi %shift_right_arithmetic3A_352, %and3A_354 : vector<4x1x128xi32>
    %reduce_max3A_356 = vector.shape_cast %and3A_355 : vector<4x1x128xi32> to vector<1x4x1x128xi32>
    %reduce_max3A_357 = arith.constant dense<-2147483648> : vector<1xi32>
    %reduce_max3A_358 = vector.multi_reduction <maxsi>, %reduce_max3A_356, %reduce_max3A_357 [1, 2, 3] : vector<1x4x1x128xi32> to vector<1xi32>
    %reduce_max3A_359 = vector.shape_cast %reduce_max3A_358 : vector<1xi32> to vector<1x1x1x1xi32>
    %reduce_max3A_360 = vector.extract %reduce_max3A_359[0, 0, 0, 0] : i32 from vector<1x1x1x1xi32>
    %slice3A_361 = vector.extract_strided_slice %get3A_5 {offsets = [0, 9], sizes = [32, 1], strides = [1, 1]} : vector<32x16xf32> to vector<32x1xf32>
    %squeeze3A_362 = vector.shape_cast %slice3A_361 : vector<32x1xf32> to vector<32xf32>
    %reduce_max3A_363 = vector.shape_cast %squeeze3A_362 : vector<32xf32> to vector<1x32xf32>
    %reduce_max3A_364 = arith.constant dense<0xFF800000> : vector<1xf32>
    %reduce_max3A_365 = vector.multi_reduction <maximumf>, %reduce_max3A_363, %reduce_max3A_364 [1] : vector<1x32xf32> to vector<1xf32>
    %reduce_max3A_366 = vector.shape_cast %reduce_max3A_365 : vector<1xf32> to vector<1x1xf32>
    %reduce_max3A_367 = vector.extract %reduce_max3A_366[0, 0] : f32 from vector<1x1xf32>
    %sub3A_368 = arith.constant 9.000000e+00 : f32
    %sub3A_369 = arith.constant 8.000000e+00 : f32
    %sub3A_370 = arith.subf %sub3A_368, %sub3A_369 : f32
    %mul3A_371 = arith.mulf %sub3A_370, %get3A_2 : f32
    %mul3A_372 = arith.constant 5.000000e-01 : f32
    %mul3A_373 = arith.mulf %get3A_2, %mul3A_372 : f32
    %add3A_374 = arith.constant -8.000000e+00 : f32
    %add3A_375 = arith.addf %add3A_374, %mul3A_373 : f32
    %mul3A_376 = arith.constant 9.000000e+00 : f32
    %mul3A_377 = arith.mulf %mul3A_376, %get3A_2 : f32
    %add3A_378 = arith.addf %add3A_375, %mul3A_377 : f32
    %sub3A_379 = arith.subf %mul3A_371, %add3A_378 : f32
    %gt3A_380 = arith.constant 0 : i32
    %gt3A_381 = arith.cmpi sgt, %reduce_max3A_360, %gt3A_380 : i32
    %gt3A_382 = arith.constant 5.000000e-01 : f32
    %gt3A_383 = arith.cmpf ogt, %reduce_max3A_367, %gt3A_382 : f32
    %or3A_384 = arith.ori %gt3A_381, %gt3A_383 : i1
    %mul3A_385 = arith.mulf %sub3A_379, %sub3A_379 : f32
    %jit3A_386 = arith.constant 0.000000e+00 : f32
    %select_n3A_387 = arith.select %or3A_384, %mul3A_385, %jit3A_386 : f32
    %add3A_388 = arith.addf %add3A_349, %select_n3A_387 : f32
    %shift_right_arithmetic3A_389 = arith.constant 10 : i32
    %shift_right_arithmetic3A_390 = vector.broadcast %shift_right_arithmetic3A_389 : i32 to vector<4x1x128xi32>
    %shift_right_arithmetic3A_391 = arith.shrsi %get3A_9, %shift_right_arithmetic3A_390 : vector<4x1x128xi32>
    %and3A_392 = arith.constant 1 : i32
    %and3A_393 = vector.broadcast %and3A_392 : i32 to vector<4x1x128xi32>
    %and3A_394 = arith.andi %shift_right_arithmetic3A_391, %and3A_393 : vector<4x1x128xi32>
    %reduce_max3A_395 = vector.shape_cast %and3A_394 : vector<4x1x128xi32> to vector<1x4x1x128xi32>
    %reduce_max3A_396 = arith.constant dense<-2147483648> : vector<1xi32>
    %reduce_max3A_397 = vector.multi_reduction <maxsi>, %reduce_max3A_395, %reduce_max3A_396 [1, 2, 3] : vector<1x4x1x128xi32> to vector<1xi32>
    %reduce_max3A_398 = vector.shape_cast %reduce_max3A_397 : vector<1xi32> to vector<1x1x1x1xi32>
    %reduce_max3A_399 = vector.extract %reduce_max3A_398[0, 0, 0, 0] : i32 from vector<1x1x1x1xi32>
    %slice3A_400 = vector.extract_strided_slice %get3A_5 {offsets = [0, 10], sizes = [32, 1], strides = [1, 1]} : vector<32x16xf32> to vector<32x1xf32>
    %squeeze3A_401 = vector.shape_cast %slice3A_400 : vector<32x1xf32> to vector<32xf32>
    %reduce_max3A_402 = vector.shape_cast %squeeze3A_401 : vector<32xf32> to vector<1x32xf32>
    %reduce_max3A_403 = arith.constant dense<0xFF800000> : vector<1xf32>
    %reduce_max3A_404 = vector.multi_reduction <maximumf>, %reduce_max3A_402, %reduce_max3A_403 [1] : vector<1x32xf32> to vector<1xf32>
    %reduce_max3A_405 = vector.shape_cast %reduce_max3A_404 : vector<1xf32> to vector<1x1xf32>
    %reduce_max3A_406 = vector.extract %reduce_max3A_405[0, 0] : f32 from vector<1x1xf32>
    %sub3A_407 = arith.constant 1.000000e+01 : f32
    %sub3A_408 = arith.constant 8.000000e+00 : f32
    %sub3A_409 = arith.subf %sub3A_407, %sub3A_408 : f32
    %mul3A_410 = arith.mulf %sub3A_409, %get3A_2 : f32
    %mul3A_411 = arith.constant 5.000000e-01 : f32
    %mul3A_412 = arith.mulf %get3A_2, %mul3A_411 : f32
    %add3A_413 = arith.constant -8.000000e+00 : f32
    %add3A_414 = arith.addf %add3A_413, %mul3A_412 : f32
    %mul3A_415 = arith.constant 1.000000e+01 : f32
    %mul3A_416 = arith.mulf %mul3A_415, %get3A_2 : f32
    %add3A_417 = arith.addf %add3A_414, %mul3A_416 : f32
    %sub3A_418 = arith.subf %mul3A_410, %add3A_417 : f32
    %gt3A_419 = arith.constant 0 : i32
    %gt3A_420 = arith.cmpi sgt, %reduce_max3A_399, %gt3A_419 : i32
    %gt3A_421 = arith.constant 5.000000e-01 : f32
    %gt3A_422 = arith.cmpf ogt, %reduce_max3A_406, %gt3A_421 : f32
    %or3A_423 = arith.ori %gt3A_420, %gt3A_422 : i1
    %mul3A_424 = arith.mulf %sub3A_418, %sub3A_418 : f32
    %jit3A_425 = arith.constant 0.000000e+00 : f32
    %select_n3A_426 = arith.select %or3A_423, %mul3A_424, %jit3A_425 : f32
    %add3A_427 = arith.addf %add3A_388, %select_n3A_426 : f32
    %shift_right_arithmetic3A_428 = arith.constant 11 : i32
    %shift_right_arithmetic3A_429 = vector.broadcast %shift_right_arithmetic3A_428 : i32 to vector<4x1x128xi32>
    %shift_right_arithmetic3A_430 = arith.shrsi %get3A_9, %shift_right_arithmetic3A_429 : vector<4x1x128xi32>
    %and3A_431 = arith.constant 1 : i32
    %and3A_432 = vector.broadcast %and3A_431 : i32 to vector<4x1x128xi32>
    %and3A_433 = arith.andi %shift_right_arithmetic3A_430, %and3A_432 : vector<4x1x128xi32>
    %reduce_max3A_434 = vector.shape_cast %and3A_433 : vector<4x1x128xi32> to vector<1x4x1x128xi32>
    %reduce_max3A_435 = arith.constant dense<-2147483648> : vector<1xi32>
    %reduce_max3A_436 = vector.multi_reduction <maxsi>, %reduce_max3A_434, %reduce_max3A_435 [1, 2, 3] : vector<1x4x1x128xi32> to vector<1xi32>
    %reduce_max3A_437 = vector.shape_cast %reduce_max3A_436 : vector<1xi32> to vector<1x1x1x1xi32>
    %reduce_max3A_438 = vector.extract %reduce_max3A_437[0, 0, 0, 0] : i32 from vector<1x1x1x1xi32>
    %slice3A_439 = vector.extract_strided_slice %get3A_5 {offsets = [0, 11], sizes = [32, 1], strides = [1, 1]} : vector<32x16xf32> to vector<32x1xf32>
    %squeeze3A_440 = vector.shape_cast %slice3A_439 : vector<32x1xf32> to vector<32xf32>
    %reduce_max3A_441 = vector.shape_cast %squeeze3A_440 : vector<32xf32> to vector<1x32xf32>
    %reduce_max3A_442 = arith.constant dense<0xFF800000> : vector<1xf32>
    %reduce_max3A_443 = vector.multi_reduction <maximumf>, %reduce_max3A_441, %reduce_max3A_442 [1] : vector<1x32xf32> to vector<1xf32>
    %reduce_max3A_444 = vector.shape_cast %reduce_max3A_443 : vector<1xf32> to vector<1x1xf32>
    %reduce_max3A_445 = vector.extract %reduce_max3A_444[0, 0] : f32 from vector<1x1xf32>
    %sub3A_446 = arith.constant 1.100000e+01 : f32
    %sub3A_447 = arith.constant 8.000000e+00 : f32
    %sub3A_448 = arith.subf %sub3A_446, %sub3A_447 : f32
    %mul3A_449 = arith.mulf %sub3A_448, %get3A_2 : f32
    %mul3A_450 = arith.constant 5.000000e-01 : f32
    %mul3A_451 = arith.mulf %get3A_2, %mul3A_450 : f32
    %add3A_452 = arith.constant -8.000000e+00 : f32
    %add3A_453 = arith.addf %add3A_452, %mul3A_451 : f32
    %mul3A_454 = arith.constant 1.100000e+01 : f32
    %mul3A_455 = arith.mulf %mul3A_454, %get3A_2 : f32
    %add3A_456 = arith.addf %add3A_453, %mul3A_455 : f32
    %sub3A_457 = arith.subf %mul3A_449, %add3A_456 : f32
    %gt3A_458 = arith.constant 0 : i32
    %gt3A_459 = arith.cmpi sgt, %reduce_max3A_438, %gt3A_458 : i32
    %gt3A_460 = arith.constant 5.000000e-01 : f32
    %gt3A_461 = arith.cmpf ogt, %reduce_max3A_445, %gt3A_460 : f32
    %or3A_462 = arith.ori %gt3A_459, %gt3A_461 : i1
    %mul3A_463 = arith.mulf %sub3A_457, %sub3A_457 : f32
    %jit3A_464 = arith.constant 0.000000e+00 : f32
    %select_n3A_465 = arith.select %or3A_462, %mul3A_463, %jit3A_464 : f32
    %add3A_466 = arith.addf %add3A_427, %select_n3A_465 : f32
    %shift_right_arithmetic3A_467 = arith.constant 12 : i32
    %shift_right_arithmetic3A_468 = vector.broadcast %shift_right_arithmetic3A_467 : i32 to vector<4x1x128xi32>
    %shift_right_arithmetic3A_469 = arith.shrsi %get3A_9, %shift_right_arithmetic3A_468 : vector<4x1x128xi32>
    %and3A_470 = arith.constant 1 : i32
    %and3A_471 = vector.broadcast %and3A_470 : i32 to vector<4x1x128xi32>
    %and3A_472 = arith.andi %shift_right_arithmetic3A_469, %and3A_471 : vector<4x1x128xi32>
    %reduce_max3A_473 = vector.shape_cast %and3A_472 : vector<4x1x128xi32> to vector<1x4x1x128xi32>
    %reduce_max3A_474 = arith.constant dense<-2147483648> : vector<1xi32>
    %reduce_max3A_475 = vector.multi_reduction <maxsi>, %reduce_max3A_473, %reduce_max3A_474 [1, 2, 3] : vector<1x4x1x128xi32> to vector<1xi32>
    %reduce_max3A_476 = vector.shape_cast %reduce_max3A_475 : vector<1xi32> to vector<1x1x1x1xi32>
    %reduce_max3A_477 = vector.extract %reduce_max3A_476[0, 0, 0, 0] : i32 from vector<1x1x1x1xi32>
    %slice3A_478 = vector.extract_strided_slice %get3A_5 {offsets = [0, 12], sizes = [32, 1], strides = [1, 1]} : vector<32x16xf32> to vector<32x1xf32>
    %squeeze3A_479 = vector.shape_cast %slice3A_478 : vector<32x1xf32> to vector<32xf32>
    %reduce_max3A_480 = vector.shape_cast %squeeze3A_479 : vector<32xf32> to vector<1x32xf32>
    %reduce_max3A_481 = arith.constant dense<0xFF800000> : vector<1xf32>
    %reduce_max3A_482 = vector.multi_reduction <maximumf>, %reduce_max3A_480, %reduce_max3A_481 [1] : vector<1x32xf32> to vector<1xf32>
    %reduce_max3A_483 = vector.shape_cast %reduce_max3A_482 : vector<1xf32> to vector<1x1xf32>
    %reduce_max3A_484 = vector.extract %reduce_max3A_483[0, 0] : f32 from vector<1x1xf32>
    %sub3A_485 = arith.constant 1.200000e+01 : f32
    %sub3A_486 = arith.constant 8.000000e+00 : f32
    %sub3A_487 = arith.subf %sub3A_485, %sub3A_486 : f32
    %mul3A_488 = arith.mulf %sub3A_487, %get3A_2 : f32
    %mul3A_489 = arith.constant 5.000000e-01 : f32
    %mul3A_490 = arith.mulf %get3A_2, %mul3A_489 : f32
    %add3A_491 = arith.constant -8.000000e+00 : f32
    %add3A_492 = arith.addf %add3A_491, %mul3A_490 : f32
    %mul3A_493 = arith.constant 1.200000e+01 : f32
    %mul3A_494 = arith.mulf %mul3A_493, %get3A_2 : f32
    %add3A_495 = arith.addf %add3A_492, %mul3A_494 : f32
    %sub3A_496 = arith.subf %mul3A_488, %add3A_495 : f32
    %gt3A_497 = arith.constant 0 : i32
    %gt3A_498 = arith.cmpi sgt, %reduce_max3A_477, %gt3A_497 : i32
    %gt3A_499 = arith.constant 5.000000e-01 : f32
    %gt3A_500 = arith.cmpf ogt, %reduce_max3A_484, %gt3A_499 : f32
    %or3A_501 = arith.ori %gt3A_498, %gt3A_500 : i1
    %mul3A_502 = arith.mulf %sub3A_496, %sub3A_496 : f32
    %jit3A_503 = arith.constant 0.000000e+00 : f32
    %select_n3A_504 = arith.select %or3A_501, %mul3A_502, %jit3A_503 : f32
    %add3A_505 = arith.addf %add3A_466, %select_n3A_504 : f32
    %shift_right_arithmetic3A_506 = arith.constant 13 : i32
    %shift_right_arithmetic3A_507 = vector.broadcast %shift_right_arithmetic3A_506 : i32 to vector<4x1x128xi32>
    %shift_right_arithmetic3A_508 = arith.shrsi %get3A_9, %shift_right_arithmetic3A_507 : vector<4x1x128xi32>
    %and3A_509 = arith.constant 1 : i32
    %and3A_510 = vector.broadcast %and3A_509 : i32 to vector<4x1x128xi32>
    %and3A_511 = arith.andi %shift_right_arithmetic3A_508, %and3A_510 : vector<4x1x128xi32>
    %reduce_max3A_512 = vector.shape_cast %and3A_511 : vector<4x1x128xi32> to vector<1x4x1x128xi32>
    %reduce_max3A_513 = arith.constant dense<-2147483648> : vector<1xi32>
    %reduce_max3A_514 = vector.multi_reduction <maxsi>, %reduce_max3A_512, %reduce_max3A_513 [1, 2, 3] : vector<1x4x1x128xi32> to vector<1xi32>
    %reduce_max3A_515 = vector.shape_cast %reduce_max3A_514 : vector<1xi32> to vector<1x1x1x1xi32>
    %reduce_max3A_516 = vector.extract %reduce_max3A_515[0, 0, 0, 0] : i32 from vector<1x1x1x1xi32>
    %slice3A_517 = vector.extract_strided_slice %get3A_5 {offsets = [0, 13], sizes = [32, 1], strides = [1, 1]} : vector<32x16xf32> to vector<32x1xf32>
    %squeeze3A_518 = vector.shape_cast %slice3A_517 : vector<32x1xf32> to vector<32xf32>
    %reduce_max3A_519 = vector.shape_cast %squeeze3A_518 : vector<32xf32> to vector<1x32xf32>
    %reduce_max3A_520 = arith.constant dense<0xFF800000> : vector<1xf32>
    %reduce_max3A_521 = vector.multi_reduction <maximumf>, %reduce_max3A_519, %reduce_max3A_520 [1] : vector<1x32xf32> to vector<1xf32>
    %reduce_max3A_522 = vector.shape_cast %reduce_max3A_521 : vector<1xf32> to vector<1x1xf32>
    %reduce_max3A_523 = vector.extract %reduce_max3A_522[0, 0] : f32 from vector<1x1xf32>
    %sub3A_524 = arith.constant 1.300000e+01 : f32
    %sub3A_525 = arith.constant 8.000000e+00 : f32
    %sub3A_526 = arith.subf %sub3A_524, %sub3A_525 : f32
    %mul3A_527 = arith.mulf %sub3A_526, %get3A_2 : f32
    %mul3A_528 = arith.constant 5.000000e-01 : f32
    %mul3A_529 = arith.mulf %get3A_2, %mul3A_528 : f32
    %add3A_530 = arith.constant -8.000000e+00 : f32
    %add3A_531 = arith.addf %add3A_530, %mul3A_529 : f32
    %mul3A_532 = arith.constant 1.300000e+01 : f32
    %mul3A_533 = arith.mulf %mul3A_532, %get3A_2 : f32
    %add3A_534 = arith.addf %add3A_531, %mul3A_533 : f32
    %sub3A_535 = arith.subf %mul3A_527, %add3A_534 : f32
    %gt3A_536 = arith.constant 0 : i32
    %gt3A_537 = arith.cmpi sgt, %reduce_max3A_516, %gt3A_536 : i32
    %gt3A_538 = arith.constant 5.000000e-01 : f32
    %gt3A_539 = arith.cmpf ogt, %reduce_max3A_523, %gt3A_538 : f32
    %or3A_540 = arith.ori %gt3A_537, %gt3A_539 : i1
    %mul3A_541 = arith.mulf %sub3A_535, %sub3A_535 : f32
    %jit3A_542 = arith.constant 0.000000e+00 : f32
    %select_n3A_543 = arith.select %or3A_540, %mul3A_541, %jit3A_542 : f32
    %add3A_544 = arith.addf %add3A_505, %select_n3A_543 : f32
    %shift_right_arithmetic3A_545 = arith.constant 14 : i32
    %shift_right_arithmetic3A_546 = vector.broadcast %shift_right_arithmetic3A_545 : i32 to vector<4x1x128xi32>
    %shift_right_arithmetic3A_547 = arith.shrsi %get3A_9, %shift_right_arithmetic3A_546 : vector<4x1x128xi32>
    %and3A_548 = arith.constant 1 : i32
    %and3A_549 = vector.broadcast %and3A_548 : i32 to vector<4x1x128xi32>
    %and3A_550 = arith.andi %shift_right_arithmetic3A_547, %and3A_549 : vector<4x1x128xi32>
    %reduce_max3A_551 = vector.shape_cast %and3A_550 : vector<4x1x128xi32> to vector<1x4x1x128xi32>
    %reduce_max3A_552 = arith.constant dense<-2147483648> : vector<1xi32>
    %reduce_max3A_553 = vector.multi_reduction <maxsi>, %reduce_max3A_551, %reduce_max3A_552 [1, 2, 3] : vector<1x4x1x128xi32> to vector<1xi32>
    %reduce_max3A_554 = vector.shape_cast %reduce_max3A_553 : vector<1xi32> to vector<1x1x1x1xi32>
    %reduce_max3A_555 = vector.extract %reduce_max3A_554[0, 0, 0, 0] : i32 from vector<1x1x1x1xi32>
    %slice3A_556 = vector.extract_strided_slice %get3A_5 {offsets = [0, 14], sizes = [32, 1], strides = [1, 1]} : vector<32x16xf32> to vector<32x1xf32>
    %squeeze3A_557 = vector.shape_cast %slice3A_556 : vector<32x1xf32> to vector<32xf32>
    %reduce_max3A_558 = vector.shape_cast %squeeze3A_557 : vector<32xf32> to vector<1x32xf32>
    %reduce_max3A_559 = arith.constant dense<0xFF800000> : vector<1xf32>
    %reduce_max3A_560 = vector.multi_reduction <maximumf>, %reduce_max3A_558, %reduce_max3A_559 [1] : vector<1x32xf32> to vector<1xf32>
    %reduce_max3A_561 = vector.shape_cast %reduce_max3A_560 : vector<1xf32> to vector<1x1xf32>
    %reduce_max3A_562 = vector.extract %reduce_max3A_561[0, 0] : f32 from vector<1x1xf32>
    %sub3A_563 = arith.constant 1.400000e+01 : f32
    %sub3A_564 = arith.constant 8.000000e+00 : f32
    %sub3A_565 = arith.subf %sub3A_563, %sub3A_564 : f32
    %mul3A_566 = arith.mulf %sub3A_565, %get3A_2 : f32
    %mul3A_567 = arith.constant 5.000000e-01 : f32
    %mul3A_568 = arith.mulf %get3A_2, %mul3A_567 : f32
    %add3A_569 = arith.constant -8.000000e+00 : f32
    %add3A_570 = arith.addf %add3A_569, %mul3A_568 : f32
    %mul3A_571 = arith.constant 1.400000e+01 : f32
    %mul3A_572 = arith.mulf %mul3A_571, %get3A_2 : f32
    %add3A_573 = arith.addf %add3A_570, %mul3A_572 : f32
    %sub3A_574 = arith.subf %mul3A_566, %add3A_573 : f32
    %gt3A_575 = arith.constant 0 : i32
    %gt3A_576 = arith.cmpi sgt, %reduce_max3A_555, %gt3A_575 : i32
    %gt3A_577 = arith.constant 5.000000e-01 : f32
    %gt3A_578 = arith.cmpf ogt, %reduce_max3A_562, %gt3A_577 : f32
    %or3A_579 = arith.ori %gt3A_576, %gt3A_578 : i1
    %mul3A_580 = arith.mulf %sub3A_574, %sub3A_574 : f32
    %jit3A_581 = arith.constant 0.000000e+00 : f32
    %select_n3A_582 = arith.select %or3A_579, %mul3A_580, %jit3A_581 : f32
    %add3A_583 = arith.addf %add3A_544, %select_n3A_582 : f32
    %swap3A = arith.constant 0 : index
    %swap3A_584 = memref.load %arg3[%swap3A] : memref<1xf32, #tpu.memory_space<smem>>
    memref.store %add3A_583, %arg3[%swap3A] : memref<1xf32, #tpu.memory_space<smem>>
    return
  }
}

</mosaic_0001>

<sc_bundles>
// kernel: kernel.5.cloned.1.call-start
scs
__scs_entry_jumppad:
0x0: {  	(pc) =	sbr.rel $0x88, $3  }
0x1: {  	(tag) =	ssettag $0x0;
	lr =	simm.s32 $0x1  }
0x2: {  	[smem:$0x3F9F] =	sst lr;
	_ =	strace $0xD0000000  }
0x3: {  	_ = 	snop  }
0x4: {  	_ = 	snop  }
0x5: {  	_ = 	snop  }
0x6: {  	_ = 	snop  }
0x7: {  	_ = 	snop  }
__scs_overlays_trampoline_lowered:
0x8: {  	[smem:$0x3FAE] =	sst s0  }
0x9: {  	[smem:$0x3FAF] =	sst s1  }
0xa: {  	[smem:$0x3FB0] =	sst s2  }
0xb: {  	[smem:$0x3FB1] =	sst s3  }
0xc: {  	[smem:$0x3FB2] =	sst s4  }
0xd: {  	[smem:$0x3FB3] =	sst s5  }
0xe: {  	[smem:$0x3FB4] =	sst s6  }
0xf: {  	[smem:$0x3FB5] =	sst s7  }
0x10: {  	[smem:$0x3FB6] =	sst s8  }
0x11: {  	[smem:$0x3FB7] =	sst s9;
	s0 =	simm.s32 @!p0 $0x0  }
0x12: {  	s1 =	sld [smem:$0x3F9D];
	s0 =	simm.s32 @p0 $0x1  }
0x13: {  	[smem:$0x3FB8] =	sst s0;
	s0 =	simm.s32 @!p1 $0x0  }
0x14: {  	s2 =	sld [smem:$0x3F9C];
	s0 =	simm.s32 @p1 $0x1  }
0x15: {  	[smem:$0x3FB9] =	sst s0;
	s0 =	simm.s32 @!p2 $0x0  }
0x16: {  	s3 =	sld [smem:$0x3FDB];
	s0 =	simm.s32 @p2 $0x1  }
0x17: {  	s4 =	simm.s32 $0x1BF5;
	[smem:$0x3FBB] =	sst s0  }
0x18: {  	s0 =	sld [smem:$0x3F9E];
	_ =	swait.ge [sflag:s4], $0x0  }
0x19: {  	s7 =	sld [smem:$0x3F9F]  }
0x1a: {  	s8 =	sadd.s32 $0xFFFFE003, lr  }
0x1b: {  	s9 =	sadd.s32 $0xFFFFFEF7, lr;
	s5 =	simm.s32 $0xFFFFFFFF;
	p2 =	slt.u32 s8, $0xFFFFF086  }
0x1c: {  	p1 =	slt.u32 s9, $0xF7A;
	s5 =	simm.s32 @!p2 $0x0  }
0x1d: {  	s5 =	simm.s32 @p1 $0x1;
	p0 =	seq.s32 s7, s2  }
0x1e: {  	s7 =	smul.u32 @!p0 $0xF7A, s2;
	p2 =	seq.s32 @!p0 s5, $0x0  }
0x1f: {  	s9 =	smul.u32 $0xF7A, s1;
	s8 =	simm.s32 @!p0 $0x1BF5;
	p2 =	por !p2, p0  }
0x20: {  	[sflag:s8] =	ssyncset.s32 @!p0 $0xFFFFF086;
	s6 =	sadd.s32 @!p0 s3, s7;
	s7 =	simm.s32 @!p0 $0x108  }
0x21: {  	s3 =	sadd.s32 s3, s9;
	s6 =	sadd.s32 @!p0 $0x88, s6;
	s7 =	simm.s32 @p2 $0x1082  }
0x22: {  	[simem:s7], [sflag:s8] =	dma.local @!p0 [hbm:s6], $0xF7A  }
0x23: {  	s9 =	sor.u32 $0xD0000000, s2;
	s6 =	simm.s32 $0x108;
	_ =	swait.ge @!p0 [sflag:s8], $0x0  }
0x24: {  	s3 =	sadd.s32 $0x88, s3;
	s6 =	simm.s32 @!p1 $0x1082;
	[sflag:s4] =	ssyncset.s32 $0xFFFFF086  }
0x25: {  	[simem:s6], [sflag:s4] =	dma.local [hbm:s3], $0xF7A  }
0x26: {  	[smem:$0x3F9F] =	sst s1;
	(tag) =	ssettag s2;
	_ =	strace s9  }
0x27: {  	s1 =	sld [smem:$0x3FAF]  }
0x28: {  	s2 =	sld [smem:$0x3FB0]  }
0x29: {  	s4 =	sld [smem:$0x3FB2]  }
0x2a: {  	p0 =	seq.s32 s5, $0x0;
	s5 =	sld [smem:$0x3FB3]  }
0x2b: {  	s6 =	sld [smem:$0x3FB4]  }
0x2c: {  	s7 =	sld [smem:$0x3FB5]  }
0x2d: {  	s3 =	simm.s32 $0x108;
	s8 =	sld [smem:$0x3FB6]  }
0x2e: {  	s3 =	simm.s32 @!p0 $0x1082;
	s9 =	sld [smem:$0x3FB7]  }
0x2f: {  	lr =	sadd.s32 s0, s3;
	s0 =	sld [smem:$0x3FAE]  }
0x30: {  	s3 =	sld [smem:$0x3FB1]  }
0x31: {  	[smem:$0x3FBA] =	sst s10  }
0x32: {  	s10 =	sld [smem:$0x3FB8];
	_ =	sdelay $0x3  }
0x33: {  	p0 =	seq.s32 s10, $0x1;
	s10 =	sld [smem:$0x3FBA];
	_ =	sdelay $0x3  }
0x34: {  	[smem:$0x3FBA] =	sst s10  }
0x35: {  	s10 =	sld [smem:$0x3FB9];
	_ =	sdelay $0x3  }
0x36: {  	p1 =	seq.s32 s10, $0x1;
	s10 =	sld [smem:$0x3FBA];
	_ =	sdelay $0x3  }
0x37: {  	[smem:$0x3FBA] =	sst s10  }
0x38: {  	s10 =	sld [smem:$0x3FBB]  }
0x39: {  	_ = 	snop;
	(pc) =	sbr.ind lr, $3  }
0x3a: {  	_ = 	snop  }
0x3b: {  	_ = 	snop  }
0x3c: {  	p2 =	seq.s32 s10, $0x1;
	s10 =	sld [smem:$0x3FBA]  }
0x3d: {  	_ =	shalt  }
0x3e: {  	_ =	shalt  }
0x3f: {  	_ =	shalt  }
0x40: {  	_ =	shalt  }
0x41: {  	_ =	shalt  }
0x42: {  	_ =	shalt  }
0x43: {  	_ =	shalt  }
0x44: {  	_ =	shalt  }
0x45: {  	_ =	shalt  }
0x46: {  	_ =	shalt  }
0x47: {  	_ =	shalt  }
0x48: {  	_ =	shalt  }
0x49: {  	_ =	shalt  }
0x4a: {  	_ =	shalt  }
0x4b: {  	_ =	shalt  }
0x4c: {  	_ =	shalt  }
0x4d: {  	_ =	shalt  }
0x4e: {  	_ =	shalt  }
0x4f: {  	_ =	shalt  }
0x50: {  	_ =	shalt  }
0x51: {  	_ =	shalt  }
0x52: {  	_ =	shalt  }
0x53: {  	_ =	shalt  }
0x54: {  	_ =	shalt  }
0x55: {  	_ =	shalt  }
0x56: {  	_ =	shalt  }
0x57: {  	_ =	shalt  }
0x58: {  	_ =	shalt  }
0x59: {  	_ =	shalt  }
0x5a: {  	_ =	shalt  }
0x5b: {  	_ =	shalt  }
0x5c: {  	_ =	shalt  }
0x5d: {  	_ =	shalt  }
0x5e: {  	_ =	shalt  }
0x5f: {  	_ =	shalt  }
0x60: {  	_ =	shalt  }
0x61: {  	_ =	shalt  }
0x62: {  	_ =	shalt  }
0x63: {  	_ =	shalt  }
0x64: {  	_ =	shalt  }
0x65: {  	_ =	shalt  }
0x66: {  	_ =	shalt  }
0x67: {  	_ =	shalt  }
0x68: {  	_ =	shalt  }
0x69: {  	_ =	shalt  }
0x6a: {  	_ =	shalt  }
0x6b: {  	_ =	shalt  }
0x6c: {  	_ =	shalt  }
0x6d: {  	_ =	shalt  }
0x6e: {  	_ =	shalt  }
0x6f: {  	_ =	shalt  }
0x70: {  	_ =	shalt  }
0x71: {  	_ =	shalt  }
0x72: {  	_ =	shalt  }
0x73: {  	_ =	shalt  }
0x74: {  	_ =	shalt  }
0x75: {  	_ =	shalt  }
0x76: {  	_ =	shalt  }
0x77: {  	_ =	shalt  }
0x78: {  	_ =	shalt  }
0x79: {  	_ =	shalt  }
0x7a: {  	_ =	shalt  }
0x7b: {  	_ =	shalt  }
0x7c: {  	_ =	shalt  }
0x7d: {  	_ =	shalt  }
0x7e: {  	_ =	shalt  }
0x7f: {  	_ =	shalt  }
0x80: {  	_ =	shalt  }
0x81: {  	_ =	shalt  }
0x82: {  	_ =	shalt  }
0x83: {  	_ =	shalt  }
0x84: {  	_ =	shalt  }
0x85: {  	_ =	shalt  }
0x86: {  	_ =	shalt  }
0x87: {  	_ =	shalt  }
.Lfunc_end0:
.L_simem_size_0:
called_computation_lowered:
.L_overlay_start_0:
0x88: {  	s2 =	sld [smem:$0x3FD9]  }
0x89: {  	s3 =	sld [smem:$0x3FFE];
	_ =	sdelay $0x1  }
0x8a: {  	s1 =	srdreg.scid  }
0x8b: {  	s0 =	sand.u32 $0x1, s1  }
0x8c: {  	s14 =	sshll.u32 s0, $0xA;
	s2 =	sadd.s32 s3, s2  }
0x8d: {  	s2 =	sadd.s32 s2, s14  }
0x8e: {  	[smem:$0x3FC6] =	sst s2  }
0x8f: {  	_ = 	snop  }
0x90: {  	s2 =	sld [smem:$0x3FD0];
	_ =	sdelay $0x2  }
0x91: {  	s4 =	simm.s32 $0xA;
	s5 =	simm.s32 $0x10;
	s15 =	sld [smem:$0x3FC9]  }
0x92: {  	[smem:s5], [sflag:s4] =	dma.local [hbm:s2], $0x1  }
0x93: {  	_ =	swait.eq [sflag:s4], $0x1  }
0x94: {  	[sflag:s4] =	ssyncset.done $0x0  }
0x95: {  	[sflag:s4] =	ssyncadd.s32 $0xFFFFFFFF  }
0x96: {  	s16 =	sld [smem:$0x11];
	(tm) =	ssettm $0x1  }
0x97: {  	s17 =	sld [smem:$0x3FFB];
	_ =	sdelay $0x3  }
0x98: {  	_ =	strace s17  }
0x99: {  	s4 =	sld [smem:$0x3FFC];
	_ =	sdelay $0x3  }
0x9a: {  	_ =	strace s4  }
0x9b: {  	s4 =	sld [smem:$0x3FFD];
	_ =	sdelay $0x3  }
0x9c: {  	_ =	strace s4  }
0x9d: {  	_ =	strace $0x8FFFFFFF  }
0x9e: {  	s18 =	sld [smem:$0x3FDB];
	_ =	sdelay $0x1  }
0x9f: {  	s19 =	simm.s32 $_scs_section_size  }
0xa0: {  	s6 =	simm.s32 $_size__tile_overlayer_lowered;
	s7 =	simm.s32 $_tile_overlayer_lowered  }
0xa1: {  	s22 =	simm.s32 $0x1BFF;
	s21 =	sshll.u32 s7, $0x1;
	s4 =	sadd.s32 s19, s18  }
0xa2: {  	s8 =	simm.s32 $0x0;
	s20 =	sshll.u32 s6, $0x1;
	s6 =	sadd.s32 s21, s4  }
0xa3: {  	[timem:s8], [sflag:s22] =	dma.local [hbm:s6], s20  }
0xa4: {  	_ =	swait.ge [sflag:s22], s20  }
0xa5: {  	s5 =	ssub.s32 $0x0, s20;
	[sflag:s22] =	ssyncset.done $0x0  }
0xa6: {  	[sflag:s22] =	ssyncadd.s32 s5;
	_ =	sdelay $0x1  }
0xa7: {  	s23 =	simm.s32 $0x1B8B  }
0xa8: {  	_ =	swait.ge [sflag:s23], $0x1  }
0xa9: {  	[sflag:s23] =	ssyncset.done $0x0  }
0xaa: {  	s25 =	simm.s32 $0x1B8E;
	s24 =	sld [smem:$0x3FFE];
	[sflag:s23] =	ssyncadd.s32 $0xFFFFFFFF  }
0xab: {  	s26 =	simm.s32 $execute0_lowered;
	[smem:$0x3FD2] =	sst s25  }
0xac: {  	s6 =	sshll.u32 s26, $0x1;
	_ =	strace $0x80000046;
	[dreg:$0x1] =	wrdreg $0xFFFFFFFF  }
0xad: {  	s28 =	simm.s32 $_size_execute0_lowered;
	s4 =	sadd.s32 s4, s6;
	[dreg:$0x0] =	wrdreg $0x0  }
0xae: {  	s6 =	sshll.u32 s28, $0x1;
	[dreg:$0x2] =	wrdreg s4  }
0xaf: {  	[dreg:$0x3] =	wrdreg s6  }
0xb0: {  	[dreg:$0x4] =	wrdreg $0xC0  }
0xb1: {  	_ =	task [dreg:s8], $0x5FFFF  }
0xb2: {  	[dreg:$0x1] =	wrdreg $0xFFFFFFFF  }
0xb3: {  	[dreg:$0x0] =	wrdreg $0x60  }
0xb4: {  	[dreg:$0x2] =	wrdreg s15  }
0xb5: {  	[dreg:$0x3] =	wrdreg s16  }
0xb6: {  	[dreg:$0x4] =	wrdreg s24  }
0xb7: {  	[dreg:$0x5] =	wrdreg $0x9  }
0xb8: {  	_ =	task.clear_ibuf [dreg:s8], $0x6FFFF;
	_ =	strace $0x90000046  }
0xb9: {  	s29 =	simm.s32 $0x9;
	_ =	strace $0x80000048  }
0xba: {  	_ =	swait.ge [sflag:s29], $0x1  }
0xbb: {  	[sflag:s29] =	ssyncadd.s32 $0xFFFFFFFF  }
0xbc: {  	_ =	strace $0x90000048  }
0xbd: {  	_ =	sfence  }
0xbe: {  	s30 =	sld [smem:$0x0];
	_ =	sdelay $0x2  }
0xbf: {  	s31 =	sshll.u32 s1, $0xD;
	s1 =	sshrl.u32 s1, $0x2  }
0xc0: {  	s3 =	sand.u32 $0x4000, s31;
	s1 =	sadd.s32 s1, s30  }
0xc1: {  	s0 =	sor.u32 s3, s0;
	s1 =	sshll.u32 s1, $0x11  }
0xc2: {  	s0 =	sor.u32 s1, s0  }
0xc3: {  	s0 =	sadd.s32 $0x8F2B, s0  }
0xc4: {  	[sflag:s0] =	ssyncadd.remote.s32 $0x1  }
0xc5: {  	_ =	sfence.sel $0xFFFF  }
0xc6: {  	[dreg:$0x0] =	wrdreg $0xFFFFFFFF;
	(pc) =	sbr.abs _section_cstart, $3  }
0xc7: {  	[dreg:$0x1] =	wrdreg $0xFFFFFFFF  }
0xc8: {  	_ =	task.clear_ibuf [dreg:s8], $0x2FFFF;
	_ =	strace $0x9FFFFFFF  }
0xc9: {  	(tm) =	ssettm $0x7FFFFFFF  }
tec
execute0_lowered:
.L_overlay_start_1:
0x0: {  	(tag) =	ssettag $0x1  }
0x1: {  	s4 =	rddreg [dreg:$0x0]  }
0x2: {  	s2 =	rddreg [dreg:$0x1]  }
0x3: {  	s5 =	rddreg [dreg:$0x2]  }
0x4: {  	s0 =	rddreg [dreg:$0x3]  }
0x5: {  	s1 =	stileid.u32;
	s6 =	srdreg.scid  }
0x6: {  	s3 =	simm.s32 $0x0;
	s10 =	simm.s32 $0x8200;
	s11 =	simm.s32 $0x3  }
0x7: {  	s12 =	simm.s32 $0x4000;
	s13 =	simm.s32 $0x1;
	s14 =	simm.s32 $0x8000  }
0x8: {  	s15 =	simm.s32 $0x2;
	s16 =	simm.s32 $0x8180;
	s17 =	simm.s32 $0x0  }
0x9: {  	s7 =	sshll.u32 s1, $0x4;
	s6 =	sand.u32 $0x1, s6;
	[smem:$0x7FF] =	sst s3  }
0xa: {  	s7 =	sand.u32 $0x70, s7;
	s8 =	sshll.u32 s6, $0x4;
	_ =	strace $0x80000047  }
0xb: {  	s6 =	ssub.s32 $0x2, s6;
	s7 =	sadd.s32 s7, s5;
	s30 =	sor.u32 s1, s8  }
0xc: {  	s9 =	sshrl.u32 s6, $0x1;
	s8 =	sshll.u32 s30, $0xD;
	s5 =	sshll.u32 s30, $0x4  }
0xd: {  	v1 =	vlaneseq.u32;
	s9 =	ssub.s32 s6, s9;
	s4 =	sadd.s32 s4, s8;
	s31 =	sand.u32 $0x180, s5  }
0xe: {  	v1 =	vmul.u32 $0x11, v1;
	s9 =	smax.u32 s9, $0x1;
	s5 =	sadd.s32 $0x800, s4;
	s8 =	sadd.s32 s31, s7  }
0xf: {  	v0 =	vimm.f32 $0.0e+00;
	v2 =	vimm.f32 $1.000000000e+00;
	s6 =	sadd.s32 $0x1000, s4;
	s7 =	sadd.s32 $0x1800, s4;
	s8 =	sadd.s32 $0xA00, s8  }
.LBB2_1:
0x10: {  	[tilespmem:s10], [sflag:$0x3] =	stream.linear.gather [hbm4b:s2+s3], $0x80, $0x38;
	[tilespmem:$0x8280] =	vst v63  }
0x11: {  	_ =	swait.ge [sflag:s11], $0x80  }
0x12: {  	[sflag:s11] =	ssyncset.done $0x0  }
0x13: {  	[sflag:s11] =	ssyncadd.s32 $0xFFFFFF80  }
0x14: {  	[tilespmem:$0x8000] =	vst v0  }
0x15: {  	[tilespmem:$0x8010] =	vst v0  }
0x16: {  	[tilespmem:$0x8020] =	vst v0  }
0x17: {  	[tilespmem:$0x8030] =	vst v0  }
0x18: {  	[tilespmem:$0x8040] =	vst v0  }
0x19: {  	v3 =	vld [tilespmem:$0x8200];
	[tilespmem:$0x8050] =	vst v0  }
0x1a: {  	[tilespmem:$0x8060] =	vst v0  }
0x1b: {  	[tilespmem:$0x8070] =	vst v0  }
0x1c: {  	[tilespmem:$0x8080] =	vst v0  }
0x1d: {  	[tilespmem:$0x8090] =	vst v0  }
0x1e: {  	[tilespmem:$0x80A0] =	vst v0;
	(erf) = vrcp.f32 v3  }
0x1f: {  	[tilespmem:$0x80B0] =	vst v0  }
0x20: {  	[tilespmem:$0x80C0] =	vst v0  }
0x21: {  	[tilespmem:$0x80D0] =	vst v0  }
0x22: {  	[tilespmem:$0x80E0] =	vst v0  }
0x23: {  	[tilespmem:$0x80F0] =	vst v0  }
0x24: {  	[tilespmem:$0x8100] =	vst v0  }
0x25: {  	[tilespmem:s3], [sflag:$0x1] =	stream.linear.gather [hbm4b:s4+s3], $0x4000, $0x38;
	[tilespmem:$0x8280] =	vst v63  }
0x26: {  	_ = 	snop  }
0x27: {  	[tilespmem:s12], [sflag:$0x2] =	stream.linear.gather [hbm4b:s5+s3], $0x4000, $0x38;
	v3 =	vpop (erf);
	[tilespmem:$0x8280] =	vst v63  }
0x28: {  	_ =	swait.ge [sflag:s13], $0x4000  }
0x29: {  	[sflag:s13] =	ssyncset.done $0x0  }
0x2a: {  	s18 =	simm.s32 $0x40;
	[sflag:s13] =	ssyncadd.s32 $0xFFFFC000  }
0x2b: {  	v4 =	vld [tilespmem:s18+$0x30]  }
0x2c: {  	v5 =	vld [tilespmem:s18+$0xFFFFFFD0]  }
0x2d: {  	v6 =	vld [tilespmem:s18+$0xFFFFFFE0]  }
0x2e: {  	v7 =	vld [tilespmem:s18+$0xFFFFFFF0]  }
0x2f: {  	v8 =	vld [tilespmem:s18+$0x0]  }
0x30: {  	v9 =	vld [tilespmem:s18+$0x10]  }
0x31: {  	v10 =	vld [tilespmem:s18+$0x20]  }
0x32: {  	s31 =	simm.s32 $0xC0;
	v11 =	vld [tilespmem:s18+$0xFFFFFFC0]  }
0x33: {  	v14 =	vld [tilespmem:s31+$0xFFFFFFE0];
	v4 =	vmul.f32 v4, v3  }
0x34: {  	v20 =	vld [tilespmem:s31+$0x10];
	v5 =	vmul.f32 v5, v3;
	v6 =	vmul.f32 v6, v3  }
0x35: {  	v7 =	vmul.f32 v7, v3;
	v8 =	vmul.f32 v8, v3  }
0x36: {  	v9 =	vmul.f32 v9, v3;
	v10 =	vmul.f32 v10, v3  }
0x37: {  	v11 =	vmul.f32 v11, v3;
	v4 =	vadd.f32 $8.500000000e+00, v4;
	v5 =	vadd.f32 $8.500000000e+00, v5  }
0x38: {  	v14 =	vmul.f32 v14, v3;
	v6 =	vadd.f32 $8.500000000e+00, v6;
	v7 =	vadd.f32 $8.500000000e+00, v7  }
0x39: {  	v61 =	vmul.f32 v20, v3;
	v8 =	vadd.f32 $8.500000000e+00, v8;
	v9 =	vadd.f32 $8.500000000e+00, v9  }
0x3a: {  	v10 =	vadd.f32 $8.500000000e+00, v10;
	v11 =	vadd.f32 $8.500000000e+00, v11;
	v4 =	vmax.f32 v4, $5.000000000e-01  }
0x3b: {  	v5 =	vmax.f32 v5, $5.000000000e-01;
	v6 =	vmax.f32 v6, $5.000000000e-01;
	v7 =	vmax.f32 v7, $5.000000000e-01  }
0x3c: {  	v8 =	vmax.f32 v8, $5.000000000e-01;
	v9 =	vmax.f32 v9, $5.000000000e-01;
	v11 =	vmax.f32 v11, $5.000000000e-01  }
0x3d: {  	v4 =	vmin.f32 v4, $1.550000000e+01;
	v5 =	vmin.f32 v5, $1.550000000e+01;
	v6 =	vmin.f32 v6, $1.550000000e+01  }
0x3e: {  	v11 =	vmin.f32 v11, $1.550000000e+01;
	v7 =	vmin.f32 v7, $1.550000000e+01;
	v4 =	vtrunc.f32 v4  }
0x3f: {  	v12 =	vld [tilespmem:s31+$0x30];
	v8 =	vmin.f32 v8, $1.550000000e+01;
	v11 =	vtrunc.f32 v11;
	v5 =	vtrunc.f32 v5  }
0x40: {  	v9 =	vmin.f32 v9, $1.550000000e+01;
	v6 =	vtrunc.f32 v6;
	v7 =	vtrunc.f32 v7  }
0x41: {  	v13 =	vld [tilespmem:s31+$0xFFFFFFD0];
	v14 =	vadd.f32 $8.500000000e+00, v14;
	v8 =	vtrunc.f32 v8;
	v9 =	vtrunc.f32 v9  }
0x42: {  	v10 =	vmax.f32 v10, $5.000000000e-01;
	v4 =	vcvt.f32.s32 v4;
	v11 =	vcvt.f32.s32 v11  }
0x43: {  	v15 =	vld [tilespmem:s31+$0xFFFFFFF0];
	v14 =	vmax.f32 v14, $5.000000000e-01;
	v16 =	vcvt.f32.s32 v5;
	v19 =	vcvt.f32.s32 v6  }
0x44: {  	v18 =	vld [tilespmem:s31+$0x0];
	v17 =	vadd.s32 v1, v4;
	v4 =	vcvt.f32.s32 v7;
	v7 =	vmul.f32 v12, v3  }
0x45: {  	v10 =	vmin.f32 v10, $1.550000000e+01;
	v5 =	vcvt.f32.s32 v8;
	v6 =	vcvt.f32.s32 v9;
	v9 =	vld [tilespmem:s31+$0xFFFFFFC0]  }
0x46: {  	v8 =	vmul.f32 v13, v3;
	v12 =	vld [tilespmem:s31+$0x20];
	v13 =	vadd.s32 v1, v16;
	v16 =	vadd.f32 $8.500000000e+00, v7  }
0x47: {  	v14 =	vmin.f32 v14, $1.550000000e+01;
	v10 =	vtrunc.f32 v10;
	v11 =	vadd.s32 v1, v11  }
0x48: {  	v8 =	vadd.f32 $8.500000000e+00, v8;
	v7 =	vcvt.f32.s32 v10;
	v16 =	vmax.f32 v16, $5.000000000e-01  }
0x49: {  	v10 =	vmul.f32 v15, v3;
	v15 =	vmul.f32 v18, v3;
	v16 =	vmin.f32 v16, $1.550000000e+01  }
0x4a: {  	v19 =	vadd.s32 v1, v19;
	v9 =	vmul.f32 v9, v3;
	v16 =	vtrunc.f32 v16  }
0x4b: {  	v18 =	vadd.f32 $8.500000000e+00, v61;
	v12 =	vmul.f32 v12, v3;
	v16 =	vcvt.f32.s32 v16  }
0x4c: {  	v62 =	vmax.f32 v8, $5.000000000e-01;
	v10 =	vadd.f32 $8.500000000e+00, v10;
	v9 =	vadd.f32 $8.500000000e+00, v9  }
0x4d: {  	v15 =	vadd.f32 $8.500000000e+00, v15;
	v12 =	vadd.f32 $8.500000000e+00, v12;
	v8 =	vadd.s32 v1, v16  }
0x4e: {  	[tilespmem:v17+s14+$0x0] =	vst.idx.msk $0xffff, v2;
	v17 =	vmax.f32 v18, $5.000000000e-01;
	v10 =	vmax.f32 v10, $5.000000000e-01;
	v9 =	vmax.f32 v9, $5.000000000e-01  }
0x4f: {  	[tilespmem:v11+s14+$0x0] =	vst.idx.msk $0xffff, v2;
	v9 =	vmin.f32 v9, $1.550000000e+01;
	v16 =	vmax.f32 v15, $5.000000000e-01;
	v63 =	vmax.f32 v12, $5.000000000e-01  }
0x50: {  	[tilespmem:v13+s14+$0x0] =	vst.idx.msk $0xffff, v2;
	v15 =	vmin.f32 v62, $1.550000000e+01;
	v12 =	vmin.f32 v10, $1.550000000e+01;
	v13 =	vtrunc.f32 v9  }
0x51: {  	s19 =	simm.s32 $0x140;
	s18 =	simm.s32 $0x8;
	[tilespmem:v19+s14+$0x0] =	vst.idx.msk $0xffff, v2;
	v10 =	vmin.f32 v17, $1.550000000e+01;
	v11 =	vmin.f32 v16, $1.550000000e+01;
	v9 =	vmin.f32 v63, $1.550000000e+01  }
.LBB2_2:
0x52: {  	v16 =	vld [tilespmem:s19+$0x30];
	s18 =	sadd.s32 $0x8, s18;
	v15 =	vtrunc.f32 v15;
	v14 =	vtrunc.f32 v14;
	[tilespmem:v8+s14+$0x0] =	vst.idx.msk $0xffff, v2;
	v8 =	vadd.s32 v1, v4  }
0x53: {  	v4 =	vtrunc.f32 v12;
	v11 =	vtrunc.f32 v11;
	v12 =	vadd.s32 v1, v5;
	v17 =	vld [tilespmem:s19+$0xFFFFFFD0];
	p0 =	slt.u32 s18, $0x3F8  }
0x54: {  	v10 =	vtrunc.f32 v10;
	v9 =	vtrunc.f32 v9;
	v19 =	vadd.s32 v1, v6;
	v18 =	vld [tilespmem:s19+$0xFFFFFFE0]  }
0x55: {  	v5 =	vcvt.f32.s32 v13;
	v13 =	vadd.s32 v1, v7;
	v6 =	vcvt.f32.s32 v15;
	v20 =	vld [tilespmem:s19+$0xFFFFFFF0]  }
0x56: {  	v14 =	vcvt.f32.s32 v14;
	v4 =	vcvt.f32.s32 v4;
	v15 =	vld [tilespmem:s19+$0x0]  }
0x57: {  	v21 =	vld [tilespmem:s19+$0x10];
	v7 =	vmul.f32 v16, v3;
	v16 =	vadd.s32 v1, v5;
	v5 =	vcvt.f32.s32 v11;
	[tilespmem:v8+s14+$0x0] =	vst.idx.msk $0xffff, v2  }
0x58: {  	v8 =	vmul.f32 v17, v3;
	v11 =	vld [tilespmem:s19+$0x20];
	v17 =	vadd.s32 v1, v6;
	v6 =	vcvt.f32.s32 v10;
	[tilespmem:v12+s14+$0x0] =	vst.idx.msk $0xffff, v2  }
0x59: {  	v10 =	vld [tilespmem:s19+$0xFFFFFFC0];
	v12 =	vmul.f32 v18, v3;
	v18 =	vadd.f32 $8.500000000e+00, v7;
	v7 =	vcvt.f32.s32 v9;
	[tilespmem:v19+s14+$0x0] =	vst.idx.msk $0xffff, v2  }
0x5a: {  	v14 =	vadd.s32 v1, v14;
	v8 =	vadd.f32 $8.500000000e+00, v8;
	v9 =	vmul.f32 v20, v3;
	[tilespmem:v13+s14+$0x0] =	vst.idx.msk $0xffff, v2  }
0x5b: {  	v12 =	vadd.f32 $8.500000000e+00, v12;
	v13 =	vmul.f32 v15, v3;
	v15 =	vmax.f32 v18, $5.000000000e-01  }
0x5c: {  	v9 =	vadd.f32 $8.500000000e+00, v9;
	v18 =	vmul.f32 v21, v3;
	v15 =	vmin.f32 v15, $1.550000000e+01;
	[tilespmem:v16+s14+$0x0] =	vst.idx.msk $0xffff, v2  }
0x5d: {  	v13 =	vadd.f32 $8.500000000e+00, v13;
	v11 =	vmul.f32 v11, v3;
	v15 =	vtrunc.f32 v15;
	[tilespmem:v17+s14+$0x0] =	vst.idx.msk $0xffff, v2  }
0x5e: {  	v10 =	vmul.f32 v10, v3;
	v16 =	vadd.f32 $8.500000000e+00, v18;
	v15 =	vcvt.f32.s32 v15  }
0x5f: {  	v17 =	vmax.f32 v8, $5.000000000e-01;
	v12 =	vmax.f32 v12, $5.000000000e-01;
	v11 =	vadd.f32 $8.500000000e+00, v11;
	[tilespmem:v14+s14+$0x0] =	vst.idx.msk $0xffff, v2  }
.Ltmp0:
0x60: {  	v9 =	vmax.f32 v9, $5.000000000e-01;
	v10 =	vadd.f32 $8.500000000e+00, v10;
	v8 =	vadd.s32 v1, v15;
	(pc) =	sbr.rel @p0 .LBB2_2-.Ltmp0, $4  }
0x61: {  	v13 =	vmax.f32 v13, $5.000000000e-01;
	v16 =	vmax.f32 v16, $5.000000000e-01;
	v18 =	vmax.f32 v11, $5.000000000e-01  }
0x62: {  	v14 =	vmin.f32 v12, $1.550000000e+01;
	v15 =	vmin.f32 v17, $1.550000000e+01;
	v10 =	vmax.f32 v10, $5.000000000e-01  }
0x63: {  	v12 =	vmin.f32 v9, $1.550000000e+01;
	v11 =	vmin.f32 v13, $1.550000000e+01;
	v10 =	vmin.f32 v10, $1.550000000e+01  }
0x64: {  	s19 =	sadd.s32 $0x80, s19;
	v9 =	vmin.f32 v18, $1.550000000e+01;
	v13 =	vtrunc.f32 v10;
	v10 =	vmin.f32 v16, $1.550000000e+01  }
0x65: {  	v4 =	vadd.s32 v1, v4  }
0x66: {  	v5 =	vadd.s32 v1, v5  }
0x67: {  	v15 =	vtrunc.f32 v15;
	v6 =	vadd.s32 v1, v6;
	v13 =	vcvt.f32.s32 v13  }
0x68: {  	v14 =	vtrunc.f32 v14;
	v7 =	vadd.s32 v1, v7;
	v15 =	vcvt.f32.s32 v15  }
0x69: {  	[tilespmem:v8+s14+$0x0] =	vst.idx.msk $0xffff, v2;
	v8 =	vtrunc.f32 v12;
	v12 =	vcvt.f32.s32 v14;
	v13 =	vadd.s32 v1, v13  }
0x6a: {  	v11 =	vtrunc.f32 v11;
	v8 =	vcvt.f32.s32 v8;
	[tilespmem:v4+s14+$0x0] =	vst.idx.msk $0xffff, v2;
	v4 =	vadd.s32 v1, v15  }
0x6b: {  	v10 =	vtrunc.f32 v10;
	v11 =	vcvt.f32.s32 v11;
	[tilespmem:v5+s14+$0x0] =	vst.idx.msk $0xffff, v2;
	v5 =	vadd.s32 v1, v12  }
0x6c: {  	v9 =	vtrunc.f32 v9;
	v10 =	vcvt.f32.s32 v10;
	[tilespmem:v6+s14+$0x0] =	vst.idx.msk $0xffff, v2;
	v6 =	vadd.s32 v1, v8  }
0x6d: {  	v8 =	vcvt.f32.s32 v9;
	[tilespmem:v7+s14+$0x0] =	vst.idx.msk $0xffff, v2;
	v7 =	vadd.s32 v1, v11  }
0x6e: {  	v9 =	vadd.s32 v1, v10;
	[tilespmem:v13+s14+$0x0] =	vst.idx.msk $0xffff, v2  }
0x6f: {  	[tilespmem:v4+s14+$0x0] =	vst.idx.msk $0xffff, v2;
	v4 =	vadd.s32 v1, v8  }
0x70: {  	[tilespmem:v5+s14+$0x0] =	vst.idx.msk $0xffff, v2  }
0x71: {  	[tilespmem:v6+s14+$0x0] =	vst.idx.msk $0xffff, v2  }
0x72: {  	[tilespmem:v7+s14+$0x0] =	vst.idx.msk $0xffff, v2  }
0x73: {  	[tilespmem:v9+s14+$0x0] =	vst.idx.msk $0xffff, v2  }
0x74: {  	[tilespmem:v4+s14+$0x0] =	vst.idx.msk $0xffff, v2  }
0x75: {  	[tilespmem:s3], [sflag:$0x1] =	stream.linear.gather [hbm4b:s6+s3], $0x4000, $0x38;
	[tilespmem:$0x8280] =	vst v63  }
0x76: {  	_ =	swait.ge [sflag:s15], $0x4000  }
0x77: {  	[sflag:s15] =	ssyncset.done $0x0  }
0x78: {  	s18 =	simm.s32 $0x4040;
	[sflag:s15] =	ssyncadd.s32 $0xFFFFC000  }
0x79: {  	v4 =	vld [tilespmem:s18+$0x30]  }
0x7a: {  	v5 =	vld [tilespmem:s18+$0xFFFFFFD0]  }
0x7b: {  	v6 =	vld [tilespmem:s18+$0xFFFFFFE0]  }
0x7c: {  	v7 =	vld [tilespmem:s18+$0xFFFFFFF0]  }
0x7d: {  	v8 =	vld [tilespmem:s18+$0x0]  }
0x7e: {  	v9 =	vld [tilespmem:s18+$0x10]  }
0x7f: {  	v10 =	vld [tilespmem:s18+$0x20]  }
0x80: {  	s31 =	simm.s32 $0x40C0;
	v11 =	vld [tilespmem:s18+$0xFFFFFFC0]  }
0x81: {  	v14 =	vld [tilespmem:s31+$0xFFFFFFE0];
	v4 =	vmul.f32 v4, v3  }
0x82: {  	v20 =	vld [tilespmem:s31+$0x10];
	v5 =	vmul.f32 v5, v3;
	v6 =	vmul.f32 v6, v3  }
0x83: {  	v7 =	vmul.f32 v7, v3;
	v8 =	vmul.f32 v8, v3  }
0x84: {  	v9 =	vmul.f32 v9, v3;
	v10 =	vmul.f32 v10, v3  }
0x85: {  	v11 =	vmul.f32 v11, v3;
	v4 =	vadd.f32 $8.500000000e+00, v4;
	v5 =	vadd.f32 $8.500000000e+00, v5  }
0x86: {  	v14 =	vmul.f32 v14, v3;
	v6 =	vadd.f32 $8.500000000e+00, v6;
	v7 =	vadd.f32 $8.500000000e+00, v7  }
0x87: {  	v61 =	vmul.f32 v20, v3;
	v8 =	vadd.f32 $8.500000000e+00, v8;
	v9 =	vadd.f32 $8.500000000e+00, v9  }
0x88: {  	v10 =	vadd.f32 $8.500000000e+00, v10;
	v11 =	vadd.f32 $8.500000000e+00, v11;
	v4 =	vmax.f32 v4, $5.000000000e-01  }
0x89: {  	v5 =	vmax.f32 v5, $5.000000000e-01;
	v6 =	vmax.f32 v6, $5.000000000e-01;
	v7 =	vmax.f32 v7, $5.000000000e-01  }
0x8a: {  	v8 =	vmax.f32 v8, $5.000000000e-01;
	v9 =	vmax.f32 v9, $5.000000000e-01;
	v11 =	vmax.f32 v11, $5.000000000e-01  }
0x8b: {  	v4 =	vmin.f32 v4, $1.550000000e+01;
	v5 =	vmin.f32 v5, $1.550000000e+01;
	v6 =	vmin.f32 v6, $1.550000000e+01  }
0x8c: {  	v11 =	vmin.f32 v11, $1.550000000e+01;
	v7 =	vmin.f32 v7, $1.550000000e+01;
	v4 =	vtrunc.f32 v4  }
0x8d: {  	v12 =	vld [tilespmem:s31+$0x30];
	v8 =	vmin.f32 v8, $1.550000000e+01;
	v11 =	vtrunc.f32 v11;
	v5 =	vtrunc.f32 v5  }
0x8e: {  	v9 =	vmin.f32 v9, $1.550000000e+01;
	v6 =	vtrunc.f32 v6;
	v7 =	vtrunc.f32 v7  }
0x8f: {  	v13 =	vld [tilespmem:s31+$0xFFFFFFD0];
	v14 =	vadd.f32 $8.500000000e+00, v14;
	v8 =	vtrunc.f32 v8;
	v9 =	vtrunc.f32 v9  }
0x90: {  	v10 =	vmax.f32 v10, $5.000000000e-01;
	v4 =	vcvt.f32.s32 v4;
	v11 =	vcvt.f32.s32 v11  }
0x91: {  	v15 =	vld [tilespmem:s31+$0xFFFFFFF0];
	v14 =	vmax.f32 v14, $5.000000000e-01;
	v16 =	vcvt.f32.s32 v5;
	v19 =	vcvt.f32.s32 v6  }
0x92: {  	v18 =	vld [tilespmem:s31+$0x0];
	v17 =	vadd.s32 v1, v4;
	v4 =	vcvt.f32.s32 v7;
	v7 =	vmul.f32 v12, v3  }
0x93: {  	v10 =	vmin.f32 v10, $1.550000000e+01;
	v5 =	vcvt.f32.s32 v8;
	v6 =	vcvt.f32.s32 v9;
	v9 =	vld [tilespmem:s31+$0xFFFFFFC0]  }
0x94: {  	v8 =	vmul.f32 v13, v3;
	v12 =	vld [tilespmem:s31+$0x20];
	v13 =	vadd.s32 v1, v16;
	v16 =	vadd.f32 $8.500000000e+00, v7  }
0x95: {  	v14 =	vmin.f32 v14, $1.550000000e+01;
	v10 =	vtrunc.f32 v10;
	v11 =	vadd.s32 v1, v11  }
0x96: {  	v8 =	vadd.f32 $8.500000000e+00, v8;
	v7 =	vcvt.f32.s32 v10;
	v16 =	vmax.f32 v16, $5.000000000e-01  }
0x97: {  	v10 =	vmul.f32 v15, v3;
	v15 =	vmul.f32 v18, v3;
	v16 =	vmin.f32 v16, $1.550000000e+01  }
0x98: {  	v19 =	vadd.s32 v1, v19;
	v9 =	vmul.f32 v9, v3;
	v16 =	vtrunc.f32 v16  }
0x99: {  	v18 =	vadd.f32 $8.500000000e+00, v61;
	v12 =	vmul.f32 v12, v3;
	v16 =	vcvt.f32.s32 v16  }
0x9a: {  	v62 =	vmax.f32 v8, $5.000000000e-01;
	v10 =	vadd.f32 $8.500000000e+00, v10;
	v9 =	vadd.f32 $8.500000000e+00, v9  }
0x9b: {  	v15 =	vadd.f32 $8.500000000e+00, v15;
	v12 =	vadd.f32 $8.500000000e+00, v12;
	v8 =	vadd.s32 v1, v16  }
0x9c: {  	[tilespmem:v17+s14+$0x0] =	vst.idx.msk $0xffff, v2;
	v17 =	vmax.f32 v18, $5.000000000e-01;
	v10 =	vmax.f32 v10, $5.000000000e-01;
	v9 =	vmax.f32 v9, $5.000000000e-01  }
0x9d: {  	[tilespmem:v11+s14+$0x0] =	vst.idx.msk $0xffff, v2;
	v9 =	vmin.f32 v9, $1.550000000e+01;
	v16 =	vmax.f32 v15, $5.000000000e-01;
	v63 =	vmax.f32 v12, $5.000000000e-01  }
0x9e: {  	[tilespmem:v13+s14+$0x0] =	vst.idx.msk $0xffff, v2;
	v15 =	vmin.f32 v62, $1.550000000e+01;
	v12 =	vmin.f32 v10, $1.550000000e+01;
	v13 =	vtrunc.f32 v9  }
0x9f: {  	s19 =	simm.s32 $0x4140;
	s18 =	simm.s32 $0x8;
	[tilespmem:v19+s14+$0x0] =	vst.idx.msk $0xffff, v2;
	v10 =	vmin.f32 v17, $1.550000000e+01;
	v11 =	vmin.f32 v16, $1.550000000e+01;
	v9 =	vmin.f32 v63, $1.550000000e+01  }
.LBB2_4:
0xa0: {  	v16 =	vld [tilespmem:s19+$0x30];
	s18 =	sadd.s32 $0x8, s18;
	v15 =	vtrunc.f32 v15;
	v14 =	vtrunc.f32 v14;
	[tilespmem:v8+s14+$0x0] =	vst.idx.msk $0xffff, v2;
	v8 =	vadd.s32 v1, v4  }
0xa1: {  	v4 =	vtrunc.f32 v12;
	v11 =	vtrunc.f32 v11;
	v12 =	vadd.s32 v1, v5;
	v17 =	vld [tilespmem:s19+$0xFFFFFFD0];
	p0 =	slt.u32 s18, $0x3F8  }
0xa2: {  	v10 =	vtrunc.f32 v10;
	v9 =	vtrunc.f32 v9;
	v19 =	vadd.s32 v1, v6;
	v18 =	vld [tilespmem:s19+$0xFFFFFFE0]  }
0xa3: {  	v5 =	vcvt.f32.s32 v13;
	v13 =	vadd.s32 v1, v7;
	v6 =	vcvt.f32.s32 v15;
	v20 =	vld [tilespmem:s19+$0xFFFFFFF0]  }
0xa4: {  	v14 =	vcvt.f32.s32 v14;
	v4 =	vcvt.f32.s32 v4;
	v15 =	vld [tilespmem:s19+$0x0]  }
0xa5: {  	v21 =	vld [tilespmem:s19+$0x10];
	v7 =	vmul.f32 v16, v3;
	v16 =	vadd.s32 v1, v5;
	v5 =	vcvt.f32.s32 v11;
	[tilespmem:v8+s14+$0x0] =	vst.idx.msk $0xffff, v2  }
0xa6: {  	v8 =	vmul.f32 v17, v3;
	v11 =	vld [tilespmem:s19+$0x20];
	v17 =	vadd.s32 v1, v6;
	v6 =	vcvt.f32.s32 v10;
	[tilespmem:v12+s14+$0x0] =	vst.idx.msk $0xffff, v2  }
0xa7: {  	v10 =	vld [tilespmem:s19+$0xFFFFFFC0];
	v12 =	vmul.f32 v18, v3;
	v18 =	vadd.f32 $8.500000000e+00, v7;
	v7 =	vcvt.f32.s32 v9;
	[tilespmem:v19+s14+$0x0] =	vst.idx.msk $0xffff, v2  }
0xa8: {  	v14 =	vadd.s32 v1, v14;
	v8 =	vadd.f32 $8.500000000e+00, v8;
	v9 =	vmul.f32 v20, v3;
	[tilespmem:v13+s14+$0x0] =	vst.idx.msk $0xffff, v2  }
0xa9: {  	v12 =	vadd.f32 $8.500000000e+00, v12;
	v13 =	vmul.f32 v15, v3;
	v15 =	vmax.f32 v18, $5.000000000e-01  }
0xaa: {  	v9 =	vadd.f32 $8.500000000e+00, v9;
	v18 =	vmul.f32 v21, v3;
	v15 =	vmin.f32 v15, $1.550000000e+01;
	[tilespmem:v16+s14+$0x0] =	vst.idx.msk $0xffff, v2  }
0xab: {  	v13 =	vadd.f32 $8.500000000e+00, v13;
	v11 =	vmul.f32 v11, v3;
	v15 =	vtrunc.f32 v15;
	[tilespmem:v17+s14+$0x0] =	vst.idx.msk $0xffff, v2  }
0xac: {  	v10 =	vmul.f32 v10, v3;
	v16 =	vadd.f32 $8.500000000e+00, v18;
	v15 =	vcvt.f32.s32 v15  }
0xad: {  	v17 =	vmax.f32 v8, $5.000000000e-01;
	v12 =	vmax.f32 v12, $5.000000000e-01;
	v11 =	vadd.f32 $8.500000000e+00, v11;
	[tilespmem:v14+s14+$0x0] =	vst.idx.msk $0xffff, v2  }
.Ltmp1:
0xae: {  	v9 =	vmax.f32 v9, $5.000000000e-01;
	v10 =	vadd.f32 $8.500000000e+00, v10;
	v8 =	vadd.s32 v1, v15;
	(pc) =	sbr.rel @p0 .LBB2_4-.Ltmp1, $4  }
0xaf: {  	v13 =	vmax.f32 v13, $5.000000000e-01;
	v16 =	vmax.f32 v16, $5.000000000e-01;
	v18 =	vmax.f32 v11, $5.000000000e-01  }
0xb0: {  	v14 =	vmin.f32 v12, $1.550000000e+01;
	v15 =	vmin.f32 v17, $1.550000000e+01;
	v10 =	vmax.f32 v10, $5.000000000e-01  }
0xb1: {  	v12 =	vmin.f32 v9, $1.550000000e+01;
	v11 =	vmin.f32 v13, $1.550000000e+01;
	v10 =	vmin.f32 v10, $1.550000000e+01  }
0xb2: {  	s19 =	sadd.s32 $0x80, s19;
	v9 =	vmin.f32 v18, $1.550000000e+01;
	v13 =	vtrunc.f32 v10;
	v10 =	vmin.f32 v16, $1.550000000e+01  }
0xb3: {  	v4 =	vadd.s32 v1, v4  }
0xb4: {  	v5 =	vadd.s32 v1, v5  }
0xb5: {  	v15 =	vtrunc.f32 v15;
	v6 =	vadd.s32 v1, v6;
	v13 =	vcvt.f32.s32 v13  }
0xb6: {  	v14 =	vtrunc.f32 v14;
	v7 =	vadd.s32 v1, v7;
	v15 =	vcvt.f32.s32 v15  }
0xb7: {  	[tilespmem:v8+s14+$0x0] =	vst.idx.msk $0xffff, v2;
	v8 =	vtrunc.f32 v12;
	v12 =	vcvt.f32.s32 v14;
	v13 =	vadd.s32 v1, v13  }
0xb8: {  	v11 =	vtrunc.f32 v11;
	v8 =	vcvt.f32.s32 v8;
	[tilespmem:v4+s14+$0x0] =	vst.idx.msk $0xffff, v2;
	v4 =	vadd.s32 v1, v15  }
0xb9: {  	v10 =	vtrunc.f32 v10;
	v11 =	vcvt.f32.s32 v11;
	[tilespmem:v5+s14+$0x0] =	vst.idx.msk $0xffff, v2;
	v5 =	vadd.s32 v1, v12  }
0xba: {  	v9 =	vtrunc.f32 v9;
	v10 =	vcvt.f32.s32 v10;
	[tilespmem:v6+s14+$0x0] =	vst.idx.msk $0xffff, v2;
	v6 =	vadd.s32 v1, v8  }
0xbb: {  	v8 =	vcvt.f32.s32 v9;
	[tilespmem:v7+s14+$0x0] =	vst.idx.msk $0xffff, v2;
	v7 =	vadd.s32 v1, v11  }
0xbc: {  	v9 =	vadd.s32 v1, v10;
	[tilespmem:v13+s14+$0x0] =	vst.idx.msk $0xffff, v2  }
0xbd: {  	[tilespmem:v4+s14+$0x0] =	vst.idx.msk $0xffff, v2;
	v4 =	vadd.s32 v1, v8  }
0xbe: {  	[tilespmem:v5+s14+$0x0] =	vst.idx.msk $0xffff, v2  }
0xbf: {  	[tilespmem:v6+s14+$0x0] =	vst.idx.msk $0xffff, v2  }
0xc0: {  	[tilespmem:v7+s14+$0x0] =	vst.idx.msk $0xffff, v2  }
0xc1: {  	[tilespmem:v9+s14+$0x0] =	vst.idx.msk $0xffff, v2  }
0xc2: {  	[tilespmem:v4+s14+$0x0] =	vst.idx.msk $0xffff, v2  }
0xc3: {  	[tilespmem:s12], [sflag:$0x2] =	stream.linear.gather [hbm4b:s7+s3], $0x4000, $0x38;
	[tilespmem:$0x8280] =	vst v63  }
0xc4: {  	_ =	swait.ge [sflag:s13], $0x4000  }
0xc5: {  	[sflag:s13] =	ssyncset.done $0x0  }
0xc6: {  	s18 =	simm.s32 $0x40;
	[sflag:s13] =	ssyncadd.s32 $0xFFFFC000  }
0xc7: {  	v4 =	vld [tilespmem:s18+$0x30]  }
0xc8: {  	v5 =	vld [tilespmem:s18+$0xFFFFFFD0]  }
0xc9: {  	v6 =	vld [tilespmem:s18+$0xFFFFFFE0]  }
0xca: {  	v7 =	vld [tilespmem:s18+$0xFFFFFFF0]  }
0xcb: {  	v8 =	vld [tilespmem:s18+$0x0]  }
0xcc: {  	v9 =	vld [tilespmem:s18+$0x10]  }
0xcd: {  	v10 =	vld [tilespmem:s18+$0x20]  }
0xce: {  	s31 =	simm.s32 $0xC0;
	v11 =	vld [tilespmem:s18+$0xFFFFFFC0]  }
0xcf: {  	v14 =	vld [tilespmem:s31+$0xFFFFFFE0];
	v4 =	vmul.f32 v4, v3  }
0xd0: {  	v20 =	vld [tilespmem:s31+$0x10];
	v5 =	vmul.f32 v5, v3;
	v6 =	vmul.f32 v6, v3  }
0xd1: {  	v7 =	vmul.f32 v7, v3;
	v8 =	vmul.f32 v8, v3  }
0xd2: {  	v9 =	vmul.f32 v9, v3;
	v10 =	vmul.f32 v10, v3  }
0xd3: {  	v11 =	vmul.f32 v11, v3;
	v4 =	vadd.f32 $8.500000000e+00, v4;
	v5 =	vadd.f32 $8.500000000e+00, v5  }
0xd4: {  	v14 =	vmul.f32 v14, v3;
	v6 =	vadd.f32 $8.500000000e+00, v6;
	v7 =	vadd.f32 $8.500000000e+00, v7  }
0xd5: {  	v61 =	vmul.f32 v20, v3;
	v8 =	vadd.f32 $8.500000000e+00, v8;
	v9 =	vadd.f32 $8.500000000e+00, v9  }
0xd6: {  	v10 =	vadd.f32 $8.500000000e+00, v10;
	v11 =	vadd.f32 $8.500000000e+00, v11;
	v4 =	vmax.f32 v4, $5.000000000e-01  }
0xd7: {  	v5 =	vmax.f32 v5, $5.000000000e-01;
	v6 =	vmax.f32 v6, $5.000000000e-01;
	v7 =	vmax.f32 v7, $5.000000000e-01  }
0xd8: {  	v8 =	vmax.f32 v8, $5.000000000e-01;
	v9 =	vmax.f32 v9, $5.000000000e-01;
	v11 =	vmax.f32 v11, $5.000000000e-01  }
0xd9: {  	v4 =	vmin.f32 v4, $1.550000000e+01;
	v5 =	vmin.f32 v5, $1.550000000e+01;
	v6 =	vmin.f32 v6, $1.550000000e+01  }
0xda: {  	v11 =	vmin.f32 v11, $1.550000000e+01;
	v7 =	vmin.f32 v7, $1.550000000e+01;
	v4 =	vtrunc.f32 v4  }
0xdb: {  	v12 =	vld [tilespmem:s31+$0x30];
	v8 =	vmin.f32 v8, $1.550000000e+01;
	v11 =	vtrunc.f32 v11;
	v5 =	vtrunc.f32 v5  }
0xdc: {  	v9 =	vmin.f32 v9, $1.550000000e+01;
	v6 =	vtrunc.f32 v6;
	v7 =	vtrunc.f32 v7  }
0xdd: {  	v13 =	vld [tilespmem:s31+$0xFFFFFFD0];
	v14 =	vadd.f32 $8.500000000e+00, v14;
	v8 =	vtrunc.f32 v8;
	v9 =	vtrunc.f32 v9  }
0xde: {  	v10 =	vmax.f32 v10, $5.000000000e-01;
	v4 =	vcvt.f32.s32 v4;
	v11 =	vcvt.f32.s32 v11  }
0xdf: {  	v15 =	vld [tilespmem:s31+$0xFFFFFFF0];
	v14 =	vmax.f32 v14, $5.000000000e-01;
	v16 =	vcvt.f32.s32 v5;
	v19 =	vcvt.f32.s32 v6  }
0xe0: {  	v18 =	vld [tilespmem:s31+$0x0];
	v17 =	vadd.s32 v1, v4;
	v4 =	vcvt.f32.s32 v7;
	v7 =	vmul.f32 v12, v3  }
0xe1: {  	v10 =	vmin.f32 v10, $1.550000000e+01;
	v5 =	vcvt.f32.s32 v8;
	v6 =	vcvt.f32.s32 v9;
	v9 =	vld [tilespmem:s31+$0xFFFFFFC0]  }
0xe2: {  	v8 =	vmul.f32 v13, v3;
	v12 =	vld [tilespmem:s31+$0x20];
	v13 =	vadd.s32 v1, v16;
	v16 =	vadd.f32 $8.500000000e+00, v7  }
0xe3: {  	v14 =	vmin.f32 v14, $1.550000000e+01;
	v10 =	vtrunc.f32 v10;
	v11 =	vadd.s32 v1, v11  }
0xe4: {  	v8 =	vadd.f32 $8.500000000e+00, v8;
	v7 =	vcvt.f32.s32 v10;
	v16 =	vmax.f32 v16, $5.000000000e-01  }
0xe5: {  	v10 =	vmul.f32 v15, v3;
	v15 =	vmul.f32 v18, v3;
	v16 =	vmin.f32 v16, $1.550000000e+01  }
0xe6: {  	v19 =	vadd.s32 v1, v19;
	v9 =	vmul.f32 v9, v3;
	v16 =	vtrunc.f32 v16  }
0xe7: {  	v18 =	vadd.f32 $8.500000000e+00, v61;
	v12 =	vmul.f32 v12, v3;
	v16 =	vcvt.f32.s32 v16  }
0xe8: {  	v62 =	vmax.f32 v8, $5.000000000e-01;
	v10 =	vadd.f32 $8.500000000e+00, v10;
	v9 =	vadd.f32 $8.500000000e+00, v9  }
0xe9: {  	v15 =	vadd.f32 $8.500000000e+00, v15;
	v12 =	vadd.f32 $8.500000000e+00, v12;
	v8 =	vadd.s32 v1, v16  }
0xea: {  	[tilespmem:v17+s14+$0x0] =	vst.idx.msk $0xffff, v2;
	v17 =	vmax.f32 v18, $5.000000000e-01;
	v10 =	vmax.f32 v10, $5.000000000e-01;
	v9 =	vmax.f32 v9, $5.000000000e-01  }
0xeb: {  	[tilespmem:v11+s14+$0x0] =	vst.idx.msk $0xffff, v2;
	v9 =	vmin.f32 v9, $1.550000000e+01;
	v16 =	vmax.f32 v15, $5.000000000e-01;
	v63 =	vmax.f32 v12, $5.000000000e-01  }
0xec: {  	[tilespmem:v13+s14+$0x0] =	vst.idx.msk $0xffff, v2;
	v15 =	vmin.f32 v62, $1.550000000e+01;
	v12 =	vmin.f32 v10, $1.550000000e+01;
	v13 =	vtrunc.f32 v9  }
0xed: {  	s19 =	simm.s32 $0x140;
	s18 =	simm.s32 $0x8;
	[tilespmem:v19+s14+$0x0] =	vst.idx.msk $0xffff, v2;
	v10 =	vmin.f32 v17, $1.550000000e+01;
	v11 =	vmin.f32 v16, $1.550000000e+01;
	v9 =	vmin.f32 v63, $1.550000000e+01  }
.LBB2_6:
0xee: {  	v16 =	vld [tilespmem:s19+$0x30];
	s18 =	sadd.s32 $0x8, s18;
	v15 =	vtrunc.f32 v15;
	v14 =	vtrunc.f32 v14;
	[tilespmem:v8+s14+$0x0] =	vst.idx.msk $0xffff, v2;
	v8 =	vadd.s32 v1, v4  }
0xef: {  	v4 =	vtrunc.f32 v12;
	v11 =	vtrunc.f32 v11;
	v12 =	vadd.s32 v1, v5;
	v17 =	vld [tilespmem:s19+$0xFFFFFFD0];
	p0 =	slt.u32 s18, $0x3F8  }
0xf0: {  	v10 =	vtrunc.f32 v10;
	v9 =	vtrunc.f32 v9;
	v19 =	vadd.s32 v1, v6;
	v18 =	vld [tilespmem:s19+$0xFFFFFFE0]  }
0xf1: {  	v5 =	vcvt.f32.s32 v13;
	v13 =	vadd.s32 v1, v7;
	v6 =	vcvt.f32.s32 v15;
	v20 =	vld [tilespmem:s19+$0xFFFFFFF0]  }
0xf2: {  	v14 =	vcvt.f32.s32 v14;
	v4 =	vcvt.f32.s32 v4;
	v15 =	vld [tilespmem:s19+$0x0]  }
0xf3: {  	v21 =	vld [tilespmem:s19+$0x10];
	v7 =	vmul.f32 v16, v3;
	v16 =	vadd.s32 v1, v5;
	v5 =	vcvt.f32.s32 v11;
	[tilespmem:v8+s14+$0x0] =	vst.idx.msk $0xffff, v2  }
0xf4: {  	v8 =	vmul.f32 v17, v3;
	v11 =	vld [tilespmem:s19+$0x20];
	v17 =	vadd.s32 v1, v6;
	v6 =	vcvt.f32.s32 v10;
	[tilespmem:v12+s14+$0x0] =	vst.idx.msk $0xffff, v2  }
0xf5: {  	v10 =	vld [tilespmem:s19+$0xFFFFFFC0];
	v12 =	vmul.f32 v18, v3;
	v18 =	vadd.f32 $8.500000000e+00, v7;
	v7 =	vcvt.f32.s32 v9;
	[tilespmem:v19+s14+$0x0] =	vst.idx.msk $0xffff, v2  }
0xf6: {  	v14 =	vadd.s32 v1, v14;
	v8 =	vadd.f32 $8.500000000e+00, v8;
	v9 =	vmul.f32 v20, v3;
	[tilespmem:v13+s14+$0x0] =	vst.idx.msk $0xffff, v2  }
0xf7: {  	v12 =	vadd.f32 $8.500000000e+00, v12;
	v13 =	vmul.f32 v15, v3;
	v15 =	vmax.f32 v18, $5.000000000e-01  }
0xf8: {  	v9 =	vadd.f32 $8.500000000e+00, v9;
	v18 =	vmul.f32 v21, v3;
	v15 =	vmin.f32 v15, $1.550000000e+01;
	[tilespmem:v16+s14+$0x0] =	vst.idx.msk $0xffff, v2  }
0xf9: {  	v13 =	vadd.f32 $8.500000000e+00, v13;
	v11 =	vmul.f32 v11, v3;
	v15 =	vtrunc.f32 v15;
	[tilespmem:v17+s14+$0x0] =	vst.idx.msk $0xffff, v2  }
0xfa: {  	v10 =	vmul.f32 v10, v3;
	v16 =	vadd.f32 $8.500000000e+00, v18;
	v15 =	vcvt.f32.s32 v15  }
0xfb: {  	v17 =	vmax.f32 v8, $5.000000000e-01;
	v12 =	vmax.f32 v12, $5.000000000e-01;
	v11 =	vadd.f32 $8.500000000e+00, v11;
	[tilespmem:v14+s14+$0x0] =	vst.idx.msk $0xffff, v2  }
.Ltmp2:
0xfc: {  	v9 =	vmax.f32 v9, $5.000000000e-01;
	v10 =	vadd.f32 $8.500000000e+00, v10;
	v8 =	vadd.s32 v1, v15;
	(pc) =	sbr.rel @p0 .LBB2_6-.Ltmp2, $4  }
0xfd: {  	v13 =	vmax.f32 v13, $5.000000000e-01;
	v16 =	vmax.f32 v16, $5.000000000e-01;
	v18 =	vmax.f32 v11, $5.000000000e-01  }
0xfe: {  	v14 =	vmin.f32 v12, $1.550000000e+01;
	v15 =	vmin.f32 v17, $1.550000000e+01;
	v10 =	vmax.f32 v10, $5.000000000e-01  }
0xff: {  	v12 =	vmin.f32 v9, $1.550000000e+01;
	v11 =	vmin.f32 v13, $1.550000000e+01;
	v10 =	vmin.f32 v10, $1.550000000e+01  }
0x100: {  	s19 =	sadd.s32 $0x80, s19;
	v9 =	vmin.f32 v18, $1.550000000e+01;
	v13 =	vtrunc.f32 v10;
	v10 =	vmin.f32 v16, $1.550000000e+01  }
0x101: {  	v4 =	vadd.s32 v1, v4  }
0x102: {  	v5 =	vadd.s32 v1, v5  }
0x103: {  	v15 =	vtrunc.f32 v15;
	v6 =	vadd.s32 v1, v6;
	v13 =	vcvt.f32.s32 v13  }
0x104: {  	v14 =	vtrunc.f32 v14;
	v7 =	vadd.s32 v1, v7;
	v15 =	vcvt.f32.s32 v15  }
0x105: {  	[tilespmem:v8+s14+$0x0] =	vst.idx.msk $0xffff, v2;
	v8 =	vtrunc.f32 v12;
	v12 =	vcvt.f32.s32 v14;
	v13 =	vadd.s32 v1, v13  }
0x106: {  	v11 =	vtrunc.f32 v11;
	v8 =	vcvt.f32.s32 v8;
	[tilespmem:v4+s14+$0x0] =	vst.idx.msk $0xffff, v2;
	v4 =	vadd.s32 v1, v15  }
0x107: {  	v10 =	vtrunc.f32 v10;
	v11 =	vcvt.f32.s32 v11;
	[tilespmem:v5+s14+$0x0] =	vst.idx.msk $0xffff, v2;
	v5 =	vadd.s32 v1, v12  }
0x108: {  	v9 =	vtrunc.f32 v9;
	v10 =	vcvt.f32.s32 v10;
	[tilespmem:v6+s14+$0x0] =	vst.idx.msk $0xffff, v2;
	v6 =	vadd.s32 v1, v8  }
0x109: {  	v8 =	vcvt.f32.s32 v9;
	[tilespmem:v7+s14+$0x0] =	vst.idx.msk $0xffff, v2;
	v7 =	vadd.s32 v1, v11  }
0x10a: {  	v9 =	vadd.s32 v1, v10;
	[tilespmem:v13+s14+$0x0] =	vst.idx.msk $0xffff, v2  }
0x10b: {  	[tilespmem:v4+s14+$0x0] =	vst.idx.msk $0xffff, v2;
	v4 =	vadd.s32 v1, v8  }
0x10c: {  	[tilespmem:v5+s14+$0x0] =	vst.idx.msk $0xffff, v2  }
0x10d: {  	[tilespmem:v6+s14+$0x0] =	vst.idx.msk $0xffff, v2  }
0x10e: {  	[tilespmem:v7+s14+$0x0] =	vst.idx.msk $0xffff, v2  }
0x10f: {  	[tilespmem:v9+s14+$0x0] =	vst.idx.msk $0xffff, v2  }
0x110: {  	[tilespmem:v4+s14+$0x0] =	vst.idx.msk $0xffff, v2  }
0x111: {  	_ =	swait.ge [sflag:s15], $0x4000  }
0x112: {  	[sflag:s15] =	ssyncset.done $0x0  }
0x113: {  	s18 =	simm.s32 $0x4040;
	[sflag:s15] =	ssyncadd.s32 $0xFFFFC000  }
0x114: {  	v4 =	vld [tilespmem:s18+$0x30]  }
0x115: {  	v5 =	vld [tilespmem:s18+$0xFFFFFFD0]  }
0x116: {  	v6 =	vld [tilespmem:s18+$0xFFFFFFE0]  }
0x117: {  	v7 =	vld [tilespmem:s18+$0xFFFFFFF0]  }
0x118: {  	v8 =	vld [tilespmem:s18+$0x0]  }
0x119: {  	v9 =	vld [tilespmem:s18+$0x10]  }
0x11a: {  	v10 =	vld [tilespmem:s18+$0x20]  }
0x11b: {  	s31 =	simm.s32 $0x40C0;
	v11 =	vld [tilespmem:s18+$0xFFFFFFC0]  }
0x11c: {  	v14 =	vld [tilespmem:s31+$0xFFFFFFE0];
	v4 =	vmul.f32 v4, v3  }
0x11d: {  	v20 =	vld [tilespmem:s31+$0x10];
	v5 =	vmul.f32 v5, v3;
	v6 =	vmul.f32 v6, v3  }
0x11e: {  	v7 =	vmul.f32 v7, v3;
	v8 =	vmul.f32 v8, v3  }
0x11f: {  	v9 =	vmul.f32 v9, v3;
	v10 =	vmul.f32 v10, v3  }
0x120: {  	v11 =	vmul.f32 v11, v3;
	v4 =	vadd.f32 $8.500000000e+00, v4;
	v5 =	vadd.f32 $8.500000000e+00, v5  }
0x121: {  	v14 =	vmul.f32 v14, v3;
	v6 =	vadd.f32 $8.500000000e+00, v6;
	v7 =	vadd.f32 $8.500000000e+00, v7  }
0x122: {  	v61 =	vmul.f32 v20, v3;
	v8 =	vadd.f32 $8.500000000e+00, v8;
	v9 =	vadd.f32 $8.500000000e+00, v9  }
0x123: {  	v10 =	vadd.f32 $8.500000000e+00, v10;
	v11 =	vadd.f32 $8.500000000e+00, v11;
	v4 =	vmax.f32 v4, $5.000000000e-01  }
0x124: {  	v5 =	vmax.f32 v5, $5.000000000e-01;
	v6 =	vmax.f32 v6, $5.000000000e-01;
	v7 =	vmax.f32 v7, $5.000000000e-01  }
0x125: {  	v8 =	vmax.f32 v8, $5.000000000e-01;
	v9 =	vmax.f32 v9, $5.000000000e-01;
	v11 =	vmax.f32 v11, $5.000000000e-01  }
0x126: {  	v4 =	vmin.f32 v4, $1.550000000e+01;
	v5 =	vmin.f32 v5, $1.550000000e+01;
	v6 =	vmin.f32 v6, $1.550000000e+01  }
0x127: {  	v11 =	vmin.f32 v11, $1.550000000e+01;
	v7 =	vmin.f32 v7, $1.550000000e+01;
	v4 =	vtrunc.f32 v4  }
0x128: {  	v12 =	vld [tilespmem:s31+$0x30];
	v8 =	vmin.f32 v8, $1.550000000e+01;
	v11 =	vtrunc.f32 v11;
	v5 =	vtrunc.f32 v5  }
0x129: {  	v9 =	vmin.f32 v9, $1.550000000e+01;
	v6 =	vtrunc.f32 v6;
	v7 =	vtrunc.f32 v7  }
0x12a: {  	v13 =	vld [tilespmem:s31+$0xFFFFFFD0];
	v14 =	vadd.f32 $8.500000000e+00, v14;
	v8 =	vtrunc.f32 v8;
	v9 =	vtrunc.f32 v9  }
0x12b: {  	v10 =	vmax.f32 v10, $5.000000000e-01;
	v4 =	vcvt.f32.s32 v4;
	v11 =	vcvt.f32.s32 v11  }
0x12c: {  	v15 =	vld [tilespmem:s31+$0xFFFFFFF0];
	v14 =	vmax.f32 v14, $5.000000000e-01;
	v16 =	vcvt.f32.s32 v5;
	v19 =	vcvt.f32.s32 v6  }
0x12d: {  	v18 =	vld [tilespmem:s31+$0x0];
	v17 =	vadd.s32 v1, v4;
	v4 =	vcvt.f32.s32 v7;
	v7 =	vmul.f32 v12, v3  }
0x12e: {  	v10 =	vmin.f32 v10, $1.550000000e+01;
	v5 =	vcvt.f32.s32 v8;
	v6 =	vcvt.f32.s32 v9;
	v9 =	vld [tilespmem:s31+$0xFFFFFFC0]  }
0x12f: {  	v8 =	vmul.f32 v13, v3;
	v12 =	vld [tilespmem:s31+$0x20];
	v13 =	vadd.s32 v1, v16;
	v16 =	vadd.f32 $8.500000000e+00, v7  }
0x130: {  	v14 =	vmin.f32 v14, $1.550000000e+01;
	v10 =	vtrunc.f32 v10;
	v11 =	vadd.s32 v1, v11  }
0x131: {  	v8 =	vadd.f32 $8.500000000e+00, v8;
	v7 =	vcvt.f32.s32 v10;
	v16 =	vmax.f32 v16, $5.000000000e-01  }
0x132: {  	v10 =	vmul.f32 v15, v3;
	v15 =	vmul.f32 v18, v3;
	v16 =	vmin.f32 v16, $1.550000000e+01  }
0x133: {  	v19 =	vadd.s32 v1, v19;
	v9 =	vmul.f32 v9, v3;
	v16 =	vtrunc.f32 v16  }
0x134: {  	v18 =	vadd.f32 $8.500000000e+00, v61;
	v12 =	vmul.f32 v12, v3;
	v16 =	vcvt.f32.s32 v16  }
0x135: {  	v62 =	vmax.f32 v8, $5.000000000e-01;
	v10 =	vadd.f32 $8.500000000e+00, v10;
	v9 =	vadd.f32 $8.500000000e+00, v9  }
0x136: {  	v15 =	vadd.f32 $8.500000000e+00, v15;
	v12 =	vadd.f32 $8.500000000e+00, v12;
	v8 =	vadd.s32 v1, v16  }
0x137: {  	[tilespmem:v17+s14+$0x0] =	vst.idx.msk $0xffff, v2;
	v17 =	vmax.f32 v18, $5.000000000e-01;
	v10 =	vmax.f32 v10, $5.000000000e-01;
	v9 =	vmax.f32 v9, $5.000000000e-01  }
0x138: {  	[tilespmem:v11+s14+$0x0] =	vst.idx.msk $0xffff, v2;
	v9 =	vmin.f32 v9, $1.550000000e+01;
	v16 =	vmax.f32 v15, $5.000000000e-01;
	v63 =	vmax.f32 v12, $5.000000000e-01  }
0x139: {  	[tilespmem:v13+s14+$0x0] =	vst.idx.msk $0xffff, v2;
	v15 =	vmin.f32 v62, $1.550000000e+01;
	v12 =	vmin.f32 v10, $1.550000000e+01;
	v13 =	vtrunc.f32 v9  }
0x13a: {  	s19 =	simm.s32 $0x4140;
	s18 =	simm.s32 $0x8;
	[tilespmem:v19+s14+$0x0] =	vst.idx.msk $0xffff, v2;
	v10 =	vmin.f32 v17, $1.550000000e+01;
	v11 =	vmin.f32 v16, $1.550000000e+01;
	v9 =	vmin.f32 v63, $1.550000000e+01  }
.LBB2_8:
0x13b: {  	v16 =	vld [tilespmem:s19+$0x30];
	s18 =	sadd.s32 $0x8, s18;
	v15 =	vtrunc.f32 v15;
	v14 =	vtrunc.f32 v14;
	[tilespmem:v8+s14+$0x0] =	vst.idx.msk $0xffff, v2;
	v8 =	vadd.s32 v1, v4  }
0x13c: {  	v4 =	vtrunc.f32 v12;
	v11 =	vtrunc.f32 v11;
	v12 =	vadd.s32 v1, v5;
	v17 =	vld [tilespmem:s19+$0xFFFFFFD0];
	p0 =	slt.u32 s18, $0x3F8  }
0x13d: {  	v10 =	vtrunc.f32 v10;
	v9 =	vtrunc.f32 v9;
	v19 =	vadd.s32 v1, v6;
	v18 =	vld [tilespmem:s19+$0xFFFFFFE0]  }
0x13e: {  	v5 =	vcvt.f32.s32 v13;
	v13 =	vadd.s32 v1, v7;
	v6 =	vcvt.f32.s32 v15;
	v20 =	vld [tilespmem:s19+$0xFFFFFFF0]  }
0x13f: {  	v14 =	vcvt.f32.s32 v14;
	v4 =	vcvt.f32.s32 v4;
	v15 =	vld [tilespmem:s19+$0x0]  }
0x140: {  	v21 =	vld [tilespmem:s19+$0x10];
	v7 =	vmul.f32 v16, v3;
	v16 =	vadd.s32 v1, v5;
	v5 =	vcvt.f32.s32 v11;
	[tilespmem:v8+s14+$0x0] =	vst.idx.msk $0xffff, v2  }
0x141: {  	v8 =	vmul.f32 v17, v3;
	v11 =	vld [tilespmem:s19+$0x20];
	v17 =	vadd.s32 v1, v6;
	v6 =	vcvt.f32.s32 v10;
	[tilespmem:v12+s14+$0x0] =	vst.idx.msk $0xffff, v2  }
0x142: {  	v10 =	vld [tilespmem:s19+$0xFFFFFFC0];
	v12 =	vmul.f32 v18, v3;
	v18 =	vadd.f32 $8.500000000e+00, v7;
	v7 =	vcvt.f32.s32 v9;
	[tilespmem:v19+s14+$0x0] =	vst.idx.msk $0xffff, v2  }
0x143: {  	v14 =	vadd.s32 v1, v14;
	v8 =	vadd.f32 $8.500000000e+00, v8;
	v9 =	vmul.f32 v20, v3;
	[tilespmem:v13+s14+$0x0] =	vst.idx.msk $0xffff, v2  }
0x144: {  	v12 =	vadd.f32 $8.500000000e+00, v12;
	v13 =	vmul.f32 v15, v3;
	v15 =	vmax.f32 v18, $5.000000000e-01  }
0x145: {  	v9 =	vadd.f32 $8.500000000e+00, v9;
	v18 =	vmul.f32 v21, v3;
	v15 =	vmin.f32 v15, $1.550000000e+01;
	[tilespmem:v16+s14+$0x0] =	vst.idx.msk $0xffff, v2  }
0x146: {  	v13 =	vadd.f32 $8.500000000e+00, v13;
	v11 =	vmul.f32 v11, v3;
	v15 =	vtrunc.f32 v15;
	[tilespmem:v17+s14+$0x0] =	vst.idx.msk $0xffff, v2  }
0x147: {  	v10 =	vmul.f32 v10, v3;
	v16 =	vadd.f32 $8.500000000e+00, v18;
	v15 =	vcvt.f32.s32 v15  }
0x148: {  	v17 =	vmax.f32 v8, $5.000000000e-01;
	v12 =	vmax.f32 v12, $5.000000000e-01;
	v11 =	vadd.f32 $8.500000000e+00, v11;
	[tilespmem:v14+s14+$0x0] =	vst.idx.msk $0xffff, v2  }
.Ltmp3:
0x149: {  	v9 =	vmax.f32 v9, $5.000000000e-01;
	v10 =	vadd.f32 $8.500000000e+00, v10;
	v8 =	vadd.s32 v1, v15;
	(pc) =	sbr.rel @p0 .LBB2_8-.Ltmp3, $4  }
0x14a: {  	v13 =	vmax.f32 v13, $5.000000000e-01;
	v16 =	vmax.f32 v16, $5.000000000e-01;
	v18 =	vmax.f32 v11, $5.000000000e-01  }
0x14b: {  	v14 =	vmin.f32 v12, $1.550000000e+01;
	v15 =	vmin.f32 v17, $1.550000000e+01;
	v10 =	vmax.f32 v10, $5.000000000e-01  }
0x14c: {  	v12 =	vmin.f32 v9, $1.550000000e+01;
	v11 =	vmin.f32 v13, $1.550000000e+01;
	v10 =	vmin.f32 v10, $1.550000000e+01  }
0x14d: {  	s19 =	sadd.s32 $0x80, s19;
	v9 =	vmin.f32 v18, $1.550000000e+01;
	v13 =	vtrunc.f32 v10;
	v10 =	vmin.f32 v16, $1.550000000e+01  }
0x14e: {  	v3 =	vadd.s32 v1, v4  }
0x14f: {  	v43 =	vadd.s32 v1, v5  }
0x150: {  	v44 =	vtrunc.f32 v15;
	v6 =	vadd.s32 v1, v6;
	v13 =	vcvt.f32.s32 v13  }
0x151: {  	v14 =	vtrunc.f32 v14;
	v7 =	vadd.s32 v1, v7;
	v5 =	vcvt.f32.s32 v44  }
0x152: {  	[tilespmem:v8+s14+$0x0] =	vst.idx.msk $0xffff, v2;
	v45 =	vtrunc.f32 v12;
	v46 =	vcvt.f32.s32 v14;
	v13 =	vadd.s32 v1, v13  }
0x153: {  	v11 =	vtrunc.f32 v11;
	v8 =	vcvt.f32.s32 v45;
	[tilespmem:v3+s14+$0x0] =	vst.idx.msk $0xffff, v2;
	v3 =	vadd.s32 v1, v5  }
0x154: {  	v47 =	vtrunc.f32 v10;
	v48 =	vcvt.f32.s32 v11;
	v49 =	vadd.s32 v1, v46;
	[tilespmem:v43+s14+$0x0] =	vst.idx.msk $0xffff, v2  }
0x155: {  	v9 =	vtrunc.f32 v9;
	v50 =	vadd.s32 v1, v8;
	v5 =	vcvt.f32.s32 v47;
	[tilespmem:v6+s14+$0x0] =	vst.idx.msk $0xffff, v2  }
0x156: {  	v51 =	vcvt.f32.s32 v9;
	v52 =	vadd.s32 v1, v48;
	[tilespmem:v7+s14+$0x0] =	vst.idx.msk $0xffff, v2  }
0x157: {  	[tilespmem:v13+s14+$0x0] =	vst.idx.msk $0xffff, v2;
	v5 =	vadd.s32 v1, v5  }
0x158: {  	[tilespmem:v3+s14+$0x0] =	vst.idx.msk $0xffff, v2;
	v3 =	vadd.s32 v1, v51  }
0x159: {  	[tilespmem:v49+s14+$0x0] =	vst.idx.msk $0xffff, v2  }
0x15a: {  	[tilespmem:v50+s14+$0x0] =	vst.idx.msk $0xffff, v2  }
0x15b: {  	[tilespmem:v52+s14+$0x0] =	vst.idx.msk $0xffff, v2  }
0x15c: {  	[tilespmem:v5+s14+$0x0] =	vst.idx.msk $0xffff, v2  }
0x15d: {  	[tilespmem:v3+s14+$0x0] =	vst.idx.msk $0xffff, v2  }
0x15e: {  	v3 =	vld [tilespmem:$0x8000]  }
0x15f: {  	v4 =	vld [tilespmem:$0x8011]  }
0x160: {  	v5 =	vld [tilespmem:$0x8022]  }
0x161: {  	v6 =	vld [tilespmem:$0x8033]  }
0x162: {  	v7 =	vld [tilespmem:$0x8044]  }
0x163: {  	v53 =	vld [tilespmem:$0x8055]  }
0x164: {  	v54 =	vld [tilespmem:$0x8066];
	v3 =	vmax.f32 v3, v4  }
0x165: {  	v55 =	vld [tilespmem:$0x8077];
	v3 =	vmax.f32 v3, v5  }
0x166: {  	v56 =	vld [tilespmem:$0x8088];
	v3 =	vmax.f32 v3, v6  }
0x167: {  	v57 =	vld [tilespmem:$0x8099];
	v3 =	vmax.f32 v3, v7  }
0x168: {  	v58 =	vld [tilespmem:$0x80AA];
	v3 =	vmax.f32 v3, v53  }
0x169: {  	v59 =	vld [tilespmem:$0x80BB];
	v3 =	vmax.f32 v3, v54  }
0x16a: {  	v60 =	vld [tilespmem:$0x80CC];
	v3 =	vmax.f32 v3, v55  }
0x16b: {  	v61 =	vld [tilespmem:$0x80DD];
	v3 =	vmax.f32 v3, v56  }
0x16c: {  	v62 =	vld [tilespmem:$0x80EE];
	v3 =	vmax.f32 v3, v57  }
0x16d: {  	v63 =	vld [tilespmem:$0x80FF];
	v3 =	vmax.f32 v3, v58  }
0x16e: {  	v3 =	vmax.f32 v3, v59  }
0x16f: {  	v3 =	vmax.f32 v3, v60  }
0x170: {  	v3 =	vmax.f32 v3, v61  }
0x171: {  	s17 =	sadd.s32 $0x1, s17;
	v3 =	vmax.f32 v3, v62  }
0x172: {  	p0 =	sne.s32 s17, s9;
	v3 =	vmax.f32 v3, v63  }
.Ltmp4:
0x173: {  	[tilespmem:$0x8180] =	vst v3;
	(pc) =	sbr.rel @p0 .LBB2_1-.Ltmp4, $4  }
0x174: {  	[hbm4b:s8+s3] =	stream.linear.scatter [tilespmem:s16], [sflag:$0x3], $0x80, $0x38;
	[tilespmem:$0x8280] =	vst v63  }
0x175: {  	_ =	swait.ge [sflag:s11], $0x80  }
0x176: {  	[sflag:s11] =	ssyncset.done $0x0  }
0x177: {  	[sflag:s11] =	ssyncadd.s32 $0xFFFFFF80  }
0x178: {  	_ =	sfence.sel $0x180000  }
0x179: {  	[bflag:$0x0] =	sbarrier.arrive $0xFFFF  }
0x17a: {  	p0 =	sne.s32 s1, $0x0;
	_ =	strace $0x90000047  }
0x17b: {  	s0 =	sadd.s32 @!p0 $0x100000, s0;
	[bflag:$0x2] =	sbarrier.arrive $0xFFFF  }
0x17c: {  	[sflag:s0] =	ssyncadd.tile.s32 @!p0 $0x1;
	_ =	shalt  }
.Lfunc_end2:
_tile_overlayer_lowered:
.L_overlay_start_2:
0x17d: {  	(tag) =	ssettag $0x2  }
0x17e: {  	s0 =	rddreg [dreg:$0x0];
	s2 =	stileid.u32  }
0x17f: {  	s1 =	rddreg [dreg:$0x1];
	p0 =	sne.s32 s2, $0x0  }
0x180: {  	s3 =	rddreg [dreg:$0x2];
	[bflag:$0x3] =	sbarrier.arrive $0xFFFF;
	s2 =	simm.s32 @!p0 $0x1C03  }
0x181: {  	[timem:s3], [sflag:s2] =	dma.local @!p0 [hbm:s0], s1  }
0x182: {  	s0 =	simm.s32 @!p0 $0x3  }
0x183: {  	_ =	swait.ge @!p0 [sflag:s0], s1  }
0x184: {  	s1 =	ssub.s32 @!p0 $0x0, s1;
	[sflag:s0] =	ssyncset.done @!p0 $0x0  }
0x185: {  	[sflag:s0] =	ssyncadd.s32 @!p0 s1  }
0x186: {  	[bflag:$0x3] =	sbarrier.arrive $0xFFFF  }
0x187: {  	_ =	shalt  }

</sc_bundles>
